<compile_context>
chip_gen: v7x
topology: tpu7x:2x2x1
jax: 0.10.2.dev20260603
libtpu: 0.0.44.dev20260713+nightly
codegen_flags: <defaults>
</compile_context>

<pallas_src>
import functools
import math

import jax
import jax.numpy as jnp
from jax import lax
from jax.experimental import pallas as pl
from jax.experimental.pallas import tpu as pltpu
from jax.experimental.pallas import tpu_sc as plsc

EMBED = 64
NC, NS = 2, 16
NW = NC * NS
GROUP = 128
K = 5
CHUNK = GROUP * K


@functools.lru_cache(maxsize=None)
def _gather_call(n_total):
    per_w = n_total // NW
    n_chunks = per_w // CHUNK
    mesh = plsc.VectorSubcoreMesh(core_axis_name="c", subcore_axis_name="s")

    @functools.partial(
        pl.kernel,
        out_type=jax.ShapeDtypeStruct((n_total, EMBED), jnp.float32),
        mesh=mesh,
        scratch_types=[
            pltpu.VMEM((per_w,), jnp.int32),
            pltpu.VMEM((CHUNK, EMBED), jnp.float32),
            pltpu.VMEM((CHUNK, EMBED), jnp.float32),
            pltpu.SemaphoreType.DMA,
            pltpu.SemaphoreType.DMA,
            pltpu.SemaphoreType.DMA,
            pltpu.SemaphoreType.DMA,
        ],
        compiler_params=pltpu.CompilerParams(use_tc_tiling_on_sc=False),
    )
    def gather(idx_hbm, table_hbm, out_hbm, idx_all, rows0, rows1,
               gsem0, gsem1, wsem0, wsem1):
        wid = lax.axis_index("s") * NC + lax.axis_index("c")
        row0 = wid * per_w

        pltpu.sync_copy(idx_hbm.at[pl.ds(row0, per_w)], idx_all)

        def fire(c, rows, sem):
            for j in range(K):
                pltpu.async_copy(
                    table_hbm.at[idx_all.at[pl.ds((c * K + j) * GROUP, GROUP)]],
                    rows.at[pl.ds(j * GROUP, GROUP)],
                    sem,
                )

        def gwait(rows, sem):
            pltpu.make_async_copy(out_hbm.at[pl.ds(row0, CHUNK)], rows, sem).wait()

        def wfire(c, rows, sem):
            pltpu.async_copy(rows, out_hbm.at[pl.ds(row0 + c * CHUNK, CHUNK)], sem)

        def wwait(rows, sem):
            pltpu.make_async_copy(rows, out_hbm.at[pl.ds(row0, CHUNK)], sem).wait()

        fire(0, rows0, gsem0)
        fire(1, rows1, gsem1)

        @pl.loop(0, n_chunks - 2, step=2)
        def _pair(g):
            gwait(rows0, gsem0)
            wfire(g, rows0, wsem0)
            gwait(rows1, gsem1)
            wfire(g + 1, rows1, wsem1)
            wwait(rows0, wsem0)
            fire(g + 2, rows0, gsem0)
            wwait(rows1, wsem1)
            fire(g + 3, rows1, gsem1)

        gwait(rows0, gsem0)
        wfire(n_chunks - 2, rows0, wsem0)
        gwait(rows1, gsem1)
        wfire(n_chunks - 1, rows1, wsem1)
        wwait(rows0, wsem0)
        wwait(rows1, wsem1)

    return gather


def _pe_body(out_ref):
    hist, emb = out_ref.shape
    pos = lax.broadcasted_iota(jnp.int32, (hist, emb), 0).astype(jnp.float32)
    col = lax.broadcasted_iota(jnp.int32, (hist, emb), 1)
    half = (col // 2).astype(jnp.float32)
    angle = pos * jnp.exp(half * (-2.0 * math.log(10000.0) / emb))
    odd = (col % 2) == 1
    out_ref[...] = jnp.where(odd, jnp.cos(angle), jnp.sin(angle))


def kernel(inputs, table):
    batch, hist = inputs.shape
    n = batch * hist
    idx1d = inputs.astype(jnp.int32).reshape(n)
    flat = _gather_call(n)(idx1d, table)
    pe = pl.pallas_call(
        _pe_body,
        out_shape=jax.ShapeDtypeStruct((hist, EMBED), jnp.float32),
    )()
    return flat.reshape(batch, hist, EMBED), pe

# --- scband reference (transcript-rebuilt; emitter-appended) ---
"""Pipeline reference for scband-positional-sin-embedding-3908420239571 (READ-ONLY COPY).

The authoritative reference and input builder live on the scoring server;
editing this copy changes nothing except your own understanding.
"""

import jax, jax.numpy as jnp
import numpy as np

VOCAB = 1000000
EMBED_DIM = 64
BATCH = 4096
HIST = 200

def setup_inputs(seed: int = 0) -> dict:
    key = jax.random.key(seed)
    k1, k2 = jax.random.split(key)
    inputs = jax.random.randint(k1, (BATCH, HIST), 0, VOCAB, dtype=jnp.int64 if jax.config.jax_enable_x64 else jnp.int32)
    table = jax.random.normal(k2, (VOCAB, EMBED_DIM), dtype=jnp.float32) * 0.05
    return {"inputs": inputs, "table": table}

def _positional_encoding(n_step, n_embed):
    pos = jnp.arange(n_step, dtype=jnp.float32).reshape(-1, 1)
    i = jnp.arange(n_embed, dtype=jnp.float32)
    # PE = pos * 1/10000^(2*(i//2)/n_embed)
    angle = pos * (1.0 / jnp.power(10000.0, 2.0 * jnp.floor(i / 2.0) / float(n_embed)))
    odd_mask = (jnp.arange(n_embed) % 2).astype(bool)
    pe = jnp.where(odd_mask, jnp.cos(angle), jnp.sin(angle))
    return pe

def reference(inputs, table):
    # embedding lookup (gather)
    inputs_embed = jnp.take(table, inputs, axis=0)
    pe = _positional_encoding(inputs_embed.shape[-2], inputs_embed.shape[-1])
    return (inputs_embed, pe)

if __name__ == "__main__":
    import jax
    _d = setup_inputs()
    print(jax.jit(kernel)(*tuple(_d.values())))

</pallas_src>

<mosaic_0001>
#map = affine_map<(d0, d1) -> (0)>
#map1 = affine_map<(d0, d1) -> (0, 0)>
module attributes {stable_mosaic.version = 14 : i64} {
  func.func @gather(%arg0: i32, %arg1: i32, %arg2: memref<819200xi32, #tpu.memory_space<hbm>>, %arg3: memref<1000000x64xf32, #tpu.memory_space<hbm>>, %arg4: memref<819200x64xf32, #tpu.memory_space<hbm>>, %arg5: memref<25600xi32, #tpu.memory_space<vmem>>, %arg6: memref<640x64xf32, #tpu.memory_space<vmem>>, %arg7: memref<640x64xf32, #tpu.memory_space<vmem>>, %arg8: memref<!tpu.dma_semaphore, #tpu.memory_space<semaphore_mem>>, %arg9: memref<!tpu.dma_semaphore, #tpu.memory_space<semaphore_mem>>, %arg10: memref<!tpu.dma_semaphore, #tpu.memory_space<semaphore_mem>>, %arg11: memref<!tpu.dma_semaphore, #tpu.memory_space<semaphore_mem>>) attributes {dimension_semantics = [#tpu.dimension_semantics<core_parallel>, #tpu.dimension_semantics<subcore_parallel>], iteration_bounds = array<i64: 2, 16>, scalar_prefetch = 0 : i64, scratch_operands = 7 : i64, tpu.core_type = #tpu.core_type<sc_vector_subcore>, window_params = [{transform_indices = #map}, {transform_indices = #map1}, {transform_indices = #map1}]} {
    %mul3A = arith.constant 2 : i32
    %mul3A_0 = arith.muli %arg1, %mul3A : i32
    %add3A = arith.addi %mul3A_0, %arg0 : i32
    %mul3A_1 = arith.constant 25600 : i32
    %mul3A_2 = arith.muli %add3A, %mul3A_1 : i32
    "tpu.region"() ({
      %run_scoped3A = tpu.sem_alloc : memref<!tpu.dma_semaphore, #tpu.memory_space<semaphore_mem>>
      %dma_start3A_113 = tpu.memref_slice %arg2[%mul3A_2] : memref<819200xi32, #tpu.memory_space<hbm>> -> memref<25600xi32, #tpu.memory_space<hbm>>
      %dma_start3A_114 = tpu.memref_slice %arg2[%mul3A_2] : memref<819200xi32, #tpu.memory_space<hbm>> -> memref<25600xi32, #tpu.memory_space<hbm>>
      tpu.enqueue_dma source(%dma_start3A_114 : memref<25600xi32, #tpu.memory_space<hbm>>) target(%arg5 : memref<25600xi32, #tpu.memory_space<vmem>>) target_semaphore(%run_scoped3A : memref<!tpu.dma_semaphore, #tpu.memory_space<semaphore_mem>>)
      %dma_wait3A_115 = tpu.memref_slice %arg2[%mul3A_2] : memref<819200xi32, #tpu.memory_space<hbm>> -> memref<25600xi32, #tpu.memory_space<hbm>>
      %dma_wait3A_116 = tpu.memref_slice %arg2[%mul3A_2] : memref<819200xi32, #tpu.memory_space<hbm>> -> memref<25600xi32, #tpu.memory_space<hbm>>
      tpu.wait_dma2 semaphore(%run_scoped3A : memref<!tpu.dma_semaphore, #tpu.memory_space<semaphore_mem>>) src(%dma_wait3A_116 : memref<25600xi32, #tpu.memory_space<hbm>>) dst(%arg5 : memref<25600xi32, #tpu.memory_space<vmem>>)
      tpu.yield
    }) : () -> ()
    %dma_start3A = arith.constant 0 : i32
    %dma_start3A_3 = arith.constant 0 : i32
    %dma_start3A_4 = tpu.memref_slice %arg6[%dma_start3A, %dma_start3A_3] : memref<640x64xf32, #tpu.memory_space<vmem>> -> memref<128x64xf32, #tpu.memory_space<vmem>>
    %dma_start3A_5 = arith.constant 0 : i32
    %dma_start3A_6 = tpu.memref_slice %arg5[%dma_start3A_5] : memref<25600xi32, #tpu.memory_space<vmem>> -> memref<128xi32, #tpu.memory_space<vmem>>
    %dma_start3A_7 = arith.constant 0 : i32
    %dma_start3A_8 = arith.constant 0 : i32
    %dma_start3A_9 = tpu.memref_slice %arg3[%dma_start3A_7, %dma_start3A_8] : memref<1000000x64xf32, #tpu.memory_space<hbm>> -> memref<1000000x64xf32, #tpu.memory_space<hbm>>
    tpu.enqueue_indirect_dma source(%dma_start3A_9 : memref<1000000x64xf32, #tpu.memory_space<hbm>>) target(%dma_start3A_4 : memref<128x64xf32, #tpu.memory_space<vmem>>) offsets(%dma_start3A_6 : memref<128xi32, #tpu.memory_space<vmem>>) semaphore(%arg8 : memref<!tpu.dma_semaphore, #tpu.memory_space<semaphore_mem>>)
    %dma_start3A_10 = arith.constant 128 : i32
    %dma_start3A_11 = arith.constant 0 : i32
    %dma_start3A_12 = tpu.memref_slice %arg6[%dma_start3A_10, %dma_start3A_11] : memref<640x64xf32, #tpu.memory_space<vmem>> -> memref<128x64xf32, #tpu.memory_space<vmem>>
    %dma_start3A_13 = arith.constant 128 : i32
    %dma_start3A_14 = tpu.memref_slice %arg5[%dma_start3A_13] : memref<25600xi32, #tpu.memory_space<vmem>> -> memref<128xi32, #tpu.memory_space<vmem>>
    %dma_start3A_15 = arith.constant 0 : i32
    %dma_start3A_16 = arith.constant 0 : i32
    %dma_start3A_17 = tpu.memref_slice %arg3[%dma_start3A_15, %dma_start3A_16] : memref<1000000x64xf32, #tpu.memory_space<hbm>> -> memref<1000000x64xf32, #tpu.memory_space<hbm>>
    tpu.enqueue_indirect_dma source(%dma_start3A_17 : memref<1000000x64xf32, #tpu.memory_space<hbm>>) target(%dma_start3A_12 : memref<128x64xf32, #tpu.memory_space<vmem>>) offsets(%dma_start3A_14 : memref<128xi32, #tpu.memory_space<vmem>>) semaphore(%arg8 : memref<!tpu.dma_semaphore, #tpu.memory_space<semaphore_mem>>)
    %dma_start3A_18 = arith.constant 256 : i32
    %dma_start3A_19 = arith.constant 0 : i32
    %dma_start3A_20 = tpu.memref_slice %arg6[%dma_start3A_18, %dma_start3A_19] : memref<640x64xf32, #tpu.memory_space<vmem>> -> memref<128x64xf32, #tpu.memory_space<vmem>>
    %dma_start3A_21 = arith.constant 256 : i32
    %dma_start3A_22 = tpu.memref_slice %arg5[%dma_start3A_21] : memref<25600xi32, #tpu.memory_space<vmem>> -> memref<128xi32, #tpu.memory_space<vmem>>
    %dma_start3A_23 = arith.constant 0 : i32
    %dma_start3A_24 = arith.constant 0 : i32
    %dma_start3A_25 = tpu.memref_slice %arg3[%dma_start3A_23, %dma_start3A_24] : memref<1000000x64xf32, #tpu.memory_space<hbm>> -> memref<1000000x64xf32, #tpu.memory_space<hbm>>
    tpu.enqueue_indirect_dma source(%dma_start3A_25 : memref<1000000x64xf32, #tpu.memory_space<hbm>>) target(%dma_start3A_20 : memref<128x64xf32, #tpu.memory_space<vmem>>) offsets(%dma_start3A_22 : memref<128xi32, #tpu.memory_space<vmem>>) semaphore(%arg8 : memref<!tpu.dma_semaphore, #tpu.memory_space<semaphore_mem>>)
    %dma_start3A_26 = arith.constant 384 : i32
    %dma_start3A_27 = arith.constant 0 : i32
    %dma_start3A_28 = tpu.memref_slice %arg6[%dma_start3A_26, %dma_start3A_27] : memref<640x64xf32, #tpu.memory_space<vmem>> -> memref<128x64xf32, #tpu.memory_space<vmem>>
    %dma_start3A_29 = arith.constant 384 : i32
    %dma_start3A_30 = tpu.memref_slice %arg5[%dma_start3A_29] : memref<25600xi32, #tpu.memory_space<vmem>> -> memref<128xi32, #tpu.memory_space<vmem>>
    %dma_start3A_31 = arith.constant 0 : i32
    %dma_start3A_32 = arith.constant 0 : i32
    %dma_start3A_33 = tpu.memref_slice %arg3[%dma_start3A_31, %dma_start3A_32] : memref<1000000x64xf32, #tpu.memory_space<hbm>> -> memref<1000000x64xf32, #tpu.memory_space<hbm>>
    tpu.enqueue_indirect_dma source(%dma_start3A_33 : memref<1000000x64xf32, #tpu.memory_space<hbm>>) target(%dma_start3A_28 : memref<128x64xf32, #tpu.memory_space<vmem>>) offsets(%dma_start3A_30 : memref<128xi32, #tpu.memory_space<vmem>>) semaphore(%arg8 : memref<!tpu.dma_semaphore, #tpu.memory_space<semaphore_mem>>)
    %dma_start3A_34 = arith.constant 512 : i32
    %dma_start3A_35 = arith.constant 0 : i32
    %dma_start3A_36 = tpu.memref_slice %arg6[%dma_start3A_34, %dma_start3A_35] : memref<640x64xf32, #tpu.memory_space<vmem>> -> memref<128x64xf32, #tpu.memory_space<vmem>>
    %dma_start3A_37 = arith.constant 512 : i32
    %dma_start3A_38 = tpu.memref_slice %arg5[%dma_start3A_37] : memref<25600xi32, #tpu.memory_space<vmem>> -> memref<128xi32, #tpu.memory_space<vmem>>
    %dma_start3A_39 = arith.constant 0 : i32
    %dma_start3A_40 = arith.constant 0 : i32
    %dma_start3A_41 = tpu.memref_slice %arg3[%dma_start3A_39, %dma_start3A_40] : memref<1000000x64xf32, #tpu.memory_space<hbm>> -> memref<1000000x64xf32, #tpu.memory_space<hbm>>
    tpu.enqueue_indirect_dma source(%dma_start3A_41 : memref<1000000x64xf32, #tpu.memory_space<hbm>>) target(%dma_start3A_36 : memref<128x64xf32, #tpu.memory_space<vmem>>) offsets(%dma_start3A_38 : memref<128xi32, #tpu.memory_space<vmem>>) semaphore(%arg8 : memref<!tpu.dma_semaphore, #tpu.memory_space<semaphore_mem>>)
    %dma_start3A_42 = arith.constant 0 : i32
    %dma_start3A_43 = arith.constant 0 : i32
    %dma_start3A_44 = tpu.memref_slice %arg7[%dma_start3A_42, %dma_start3A_43] : memref<640x64xf32, #tpu.memory_space<vmem>> -> memref<128x64xf32, #tpu.memory_space<vmem>>
    %dma_start3A_45 = arith.constant 640 : i32
    %dma_start3A_46 = tpu.memref_slice %arg5[%dma_start3A_45] : memref<25600xi32, #tpu.memory_space<vmem>> -> memref<128xi32, #tpu.memory_space<vmem>>
    %dma_start3A_47 = arith.constant 0 : i32
    %dma_start3A_48 = arith.constant 0 : i32
    %dma_start3A_49 = tpu.memref_slice %arg3[%dma_start3A_47, %dma_start3A_48] : memref<1000000x64xf32, #tpu.memory_space<hbm>> -> memref<1000000x64xf32, #tpu.memory_space<hbm>>
    tpu.enqueue_indirect_dma source(%dma_start3A_49 : memref<1000000x64xf32, #tpu.memory_space<hbm>>) target(%dma_start3A_44 : memref<128x64xf32, #tpu.memory_space<vmem>>) offsets(%dma_start3A_46 : memref<128xi32, #tpu.memory_space<vmem>>) semaphore(%arg9 : memref<!tpu.dma_semaphore, #tpu.memory_space<semaphore_mem>>)
    %dma_start3A_50 = arith.constant 128 : i32
    %dma_start3A_51 = arith.constant 0 : i32
    %dma_start3A_52 = tpu.memref_slice %arg7[%dma_start3A_50, %dma_start3A_51] : memref<640x64xf32, #tpu.memory_space<vmem>> -> memref<128x64xf32, #tpu.memory_space<vmem>>
    %dma_start3A_53 = arith.constant 768 : i32
    %dma_start3A_54 = tpu.memref_slice %arg5[%dma_start3A_53] : memref<25600xi32, #tpu.memory_space<vmem>> -> memref<128xi32, #tpu.memory_space<vmem>>
    %dma_start3A_55 = arith.constant 0 : i32
    %dma_start3A_56 = arith.constant 0 : i32
    %dma_start3A_57 = tpu.memref_slice %arg3[%dma_start3A_55, %dma_start3A_56] : memref<1000000x64xf32, #tpu.memory_space<hbm>> -> memref<1000000x64xf32, #tpu.memory_space<hbm>>
    tpu.enqueue_indirect_dma source(%dma_start3A_57 : memref<1000000x64xf32, #tpu.memory_space<hbm>>) target(%dma_start3A_52 : memref<128x64xf32, #tpu.memory_space<vmem>>) offsets(%dma_start3A_54 : memref<128xi32, #tpu.memory_space<vmem>>) semaphore(%arg9 : memref<!tpu.dma_semaphore, #tpu.memory_space<semaphore_mem>>)
    %dma_start3A_58 = arith.constant 256 : i32
    %dma_start3A_59 = arith.constant 0 : i32
    %dma_start3A_60 = tpu.memref_slice %arg7[%dma_start3A_58, %dma_start3A_59] : memref<640x64xf32, #tpu.memory_space<vmem>> -> memref<128x64xf32, #tpu.memory_space<vmem>>
    %dma_start3A_61 = arith.constant 896 : i32
    %dma_start3A_62 = tpu.memref_slice %arg5[%dma_start3A_61] : memref<25600xi32, #tpu.memory_space<vmem>> -> memref<128xi32, #tpu.memory_space<vmem>>
    %dma_start3A_63 = arith.constant 0 : i32
    %dma_start3A_64 = arith.constant 0 : i32
    %dma_start3A_65 = tpu.memref_slice %arg3[%dma_start3A_63, %dma_start3A_64] : memref<1000000x64xf32, #tpu.memory_space<hbm>> -> memref<1000000x64xf32, #tpu.memory_space<hbm>>
    tpu.enqueue_indirect_dma source(%dma_start3A_65 : memref<1000000x64xf32, #tpu.memory_space<hbm>>) target(%dma_start3A_60 : memref<128x64xf32, #tpu.memory_space<vmem>>) offsets(%dma_start3A_62 : memref<128xi32, #tpu.memory_space<vmem>>) semaphore(%arg9 : memref<!tpu.dma_semaphore, #tpu.memory_space<semaphore_mem>>)
    %dma_start3A_66 = arith.constant 384 : i32
    %dma_start3A_67 = arith.constant 0 : i32
    %dma_start3A_68 = tpu.memref_slice %arg7[%dma_start3A_66, %dma_start3A_67] : memref<640x64xf32, #tpu.memory_space<vmem>> -> memref<128x64xf32, #tpu.memory_space<vmem>>
    %dma_start3A_69 = arith.constant 1024 : i32
    %dma_start3A_70 = tpu.memref_slice %arg5[%dma_start3A_69] : memref<25600xi32, #tpu.memory_space<vmem>> -> memref<128xi32, #tpu.memory_space<vmem>>
    %dma_start3A_71 = arith.constant 0 : i32
    %dma_start3A_72 = arith.constant 0 : i32
    %dma_start3A_73 = tpu.memref_slice %arg3[%dma_start3A_71, %dma_start3A_72] : memref<1000000x64xf32, #tpu.memory_space<hbm>> -> memref<1000000x64xf32, #tpu.memory_space<hbm>>
    tpu.enqueue_indirect_dma source(%dma_start3A_73 : memref<1000000x64xf32, #tpu.memory_space<hbm>>) target(%dma_start3A_68 : memref<128x64xf32, #tpu.memory_space<vmem>>) offsets(%dma_start3A_70 : memref<128xi32, #tpu.memory_space<vmem>>) semaphore(%arg9 : memref<!tpu.dma_semaphore, #tpu.memory_space<semaphore_mem>>)
    %dma_start3A_74 = arith.constant 512 : i32
    %dma_start3A_75 = arith.constant 0 : i32
    %dma_start3A_76 = tpu.memref_slice %arg7[%dma_start3A_74, %dma_start3A_75] : memref<640x64xf32, #tpu.memory_space<vmem>> -> memref<128x64xf32, #tpu.memory_space<vmem>>
    %dma_start3A_77 = arith.constant 1152 : i32
    %dma_start3A_78 = tpu.memref_slice %arg5[%dma_start3A_77] : memref<25600xi32, #tpu.memory_space<vmem>> -> memref<128xi32, #tpu.memory_space<vmem>>
    %dma_start3A_79 = arith.constant 0 : i32
    %dma_start3A_80 = arith.constant 0 : i32
    %dma_start3A_81 = tpu.memref_slice %arg3[%dma_start3A_79, %dma_start3A_80] : memref<1000000x64xf32, #tpu.memory_space<hbm>> -> memref<1000000x64xf32, #tpu.memory_space<hbm>>
    tpu.enqueue_indirect_dma source(%dma_start3A_81 : memref<1000000x64xf32, #tpu.memory_space<hbm>>) target(%dma_start3A_76 : memref<128x64xf32, #tpu.memory_space<vmem>>) offsets(%dma_start3A_78 : memref<128xi32, #tpu.memory_space<vmem>>) semaphore(%arg9 : memref<!tpu.dma_semaphore, #tpu.memory_space<semaphore_mem>>)
    %scan3A = arith.constant 0 : i32
    %scan3A_82 = arith.constant 19 : i32
    %scan3A_83 = arith.addi %scan3A, %scan3A_82 : i32
    %scan3A_84 = arith.constant 1 : i32
    scf.for %scan3A_113 = %scan3A to %scan3A_83 step %scan3A_84  : i32 {
      %mul3A_114 = arith.constant 2 : i32
      %mul3A_115 = arith.muli %scan3A_113, %mul3A_114 : i32
      %add3A_116 = arith.constant 0 : i32
      %add3A_117 = arith.addi %add3A_116, %mul3A_115 : i32
      %dma_wait3A_118 = arith.constant 0 : i32
      %dma_wait3A_119 = tpu.memref_slice %arg4[%mul3A_2, %dma_wait3A_118] : memref<819200x64xf32, #tpu.memory_space<hbm>> -> memref<640x64xf32, #tpu.memory_space<hbm>>
      %dma_wait3A_120 = arith.constant 0 : i32
      %dma_wait3A_121 = tpu.memref_slice %arg4[%mul3A_2, %dma_wait3A_120] : memref<819200x64xf32, #tpu.memory_space<hbm>> -> memref<640x64xf32, #tpu.memory_space<hbm>>
      tpu.wait_dma2 semaphore(%arg8 : memref<!tpu.dma_semaphore, #tpu.memory_space<semaphore_mem>>) src(%dma_wait3A_121 : memref<640x64xf32, #tpu.memory_space<hbm>>) dst(%arg6 : memref<640x64xf32, #tpu.memory_space<vmem>>)
      %mul3A_122 = arith.constant 640 : i32
      %mul3A_123 = arith.muli %add3A_117, %mul3A_122 : i32
      %add3A_124 = arith.addi %mul3A_2, %mul3A_123 : i32
      %dma_start3A_125 = arith.constant 0 : i32
      %dma_start3A_126 = tpu.memref_slice %arg4[%add3A_124, %dma_start3A_125] : memref<819200x64xf32, #tpu.memory_space<hbm>> -> memref<640x64xf32, #tpu.memory_space<hbm>>
      %dma_start3A_127 = arith.constant 0 : i32
      %dma_start3A_128 = tpu.memref_slice %arg4[%add3A_124, %dma_start3A_127] : memref<819200x64xf32, #tpu.memory_space<hbm>> -> memref<640x64xf32, #tpu.memory_space<hbm>>
      tpu.enqueue_dma source(%arg6 : memref<640x64xf32, #tpu.memory_space<vmem>>) target(%dma_start3A_128 : memref<640x64xf32, #tpu.memory_space<hbm>>) target_semaphore(%arg10 : memref<!tpu.dma_semaphore, #tpu.memory_space<semaphore_mem>>)
      %dma_wait3A_129 = arith.constant 0 : i32
      %dma_wait3A_130 = tpu.memref_slice %arg4[%mul3A_2, %dma_wait3A_129] : memref<819200x64xf32, #tpu.memory_space<hbm>> -> memref<640x64xf32, #tpu.memory_space<hbm>>
      %dma_wait3A_131 = arith.constant 0 : i32
      %dma_wait3A_132 = tpu.memref_slice %arg4[%mul3A_2, %dma_wait3A_131] : memref<819200x64xf32, #tpu.memory_space<hbm>> -> memref<640x64xf32, #tpu.memory_space<hbm>>
      tpu.wait_dma2 semaphore(%arg9 : memref<!tpu.dma_semaphore, #tpu.memory_space<semaphore_mem>>) src(%dma_wait3A_132 : memref<640x64xf32, #tpu.memory_space<hbm>>) dst(%arg7 : memref<640x64xf32, #tpu.memory_space<vmem>>)
      %add3A_133 = arith.constant 1 : i32
      %add3A_134 = arith.addi %add3A_117, %add3A_133 : i32
      %mul3A_135 = arith.constant 640 : i32
      %mul3A_136 = arith.muli %add3A_134, %mul3A_135 : i32
      %add3A_137 = arith.addi %mul3A_2, %mul3A_136 : i32
      %dma_start3A_138 = arith.constant 0 : i32
      %dma_start3A_139 = tpu.memref_slice %arg4[%add3A_137, %dma_start3A_138] : memref<819200x64xf32, #tpu.memory_space<hbm>> -> memref<640x64xf32, #tpu.memory_space<hbm>>
      %dma_start3A_140 = arith.constant 0 : i32
      %dma_start3A_141 = tpu.memref_slice %arg4[%add3A_137, %dma_start3A_140] : memref<819200x64xf32, #tpu.memory_space<hbm>> -> memref<640x64xf32, #tpu.memory_space<hbm>>
      tpu.enqueue_dma source(%arg7 : memref<640x64xf32, #tpu.memory_space<vmem>>) target(%dma_start3A_141 : memref<640x64xf32, #tpu.memory_space<hbm>>) target_semaphore(%arg11 : memref<!tpu.dma_semaphore, #tpu.memory_space<semaphore_mem>>)
      %dma_wait3A_142 = arith.constant 0 : i32
      %dma_wait3A_143 = tpu.memref_slice %arg4[%mul3A_2, %dma_wait3A_142] : memref<819200x64xf32, #tpu.memory_space<hbm>> -> memref<640x64xf32, #tpu.memory_space<hbm>>
      %dma_wait3A_144 = arith.constant 0 : i32
      %dma_wait3A_145 = tpu.memref_slice %arg4[%mul3A_2, %dma_wait3A_144] : memref<819200x64xf32, #tpu.memory_space<hbm>> -> memref<640x64xf32, #tpu.memory_space<hbm>>
      tpu.wait_dma2 semaphore(%arg10 : memref<!tpu.dma_semaphore, #tpu.memory_space<semaphore_mem>>) src(%arg6 : memref<640x64xf32, #tpu.memory_space<vmem>>) dst(%dma_wait3A_145 : memref<640x64xf32, #tpu.memory_space<hbm>>)
      %add3A_146 = arith.constant 2 : i32
      %add3A_147 = arith.addi %add3A_117, %add3A_146 : i32
      %mul3A_148 = arith.constant 5 : i32
      %mul3A_149 = arith.muli %add3A_147, %mul3A_148 : i32
      %add3A_150 = arith.constant 0 : i32
      %add3A_151 = arith.addi %mul3A_149, %add3A_150 : i32
      %mul3A_152 = arith.constant 128 : i32
      %mul3A_153 = arith.muli %add3A_151, %mul3A_152 : i32
      %dma_start3A_154 = arith.constant 0 : i32
      %dma_start3A_155 = arith.constant 0 : i32
      %dma_start3A_156 = tpu.memref_slice %arg6[%dma_start3A_154, %dma_start3A_155] : memref<640x64xf32, #tpu.memory_space<vmem>> -> memref<128x64xf32, #tpu.memory_space<vmem>>
      %dma_start3A_157 = tpu.memref_slice %arg5[%mul3A_153] : memref<25600xi32, #tpu.memory_space<vmem>> -> memref<128xi32, #tpu.memory_space<vmem>>
      %dma_start3A_158 = arith.constant 0 : i32
      %dma_start3A_159 = arith.constant 0 : i32
      %dma_start3A_160 = tpu.memref_slice %arg3[%dma_start3A_158, %dma_start3A_159] : memref<1000000x64xf32, #tpu.memory_space<hbm>> -> memref<1000000x64xf32, #tpu.memory_space<hbm>>
      tpu.enqueue_indirect_dma source(%dma_start3A_160 : memref<1000000x64xf32, #tpu.memory_space<hbm>>) target(%dma_start3A_156 : memref<128x64xf32, #tpu.memory_space<vmem>>) offsets(%dma_start3A_157 : memref<128xi32, #tpu.memory_space<vmem>>) semaphore(%arg8 : memref<!tpu.dma_semaphore, #tpu.memory_space<semaphore_mem>>)
      %mul3A_161 = arith.constant 5 : i32
      %mul3A_162 = arith.muli %add3A_147, %mul3A_161 : i32
      %add3A_163 = arith.constant 1 : i32
      %add3A_164 = arith.addi %mul3A_162, %add3A_163 : i32
      %mul3A_165 = arith.constant 128 : i32
      %mul3A_166 = arith.muli %add3A_164, %mul3A_165 : i32
      %dma_start3A_167 = arith.constant 128 : i32
      %dma_start3A_168 = arith.constant 0 : i32
      %dma_start3A_169 = tpu.memref_slice %arg6[%dma_start3A_167, %dma_start3A_168] : memref<640x64xf32, #tpu.memory_space<vmem>> -> memref<128x64xf32, #tpu.memory_space<vmem>>
      %dma_start3A_170 = tpu.memref_slice %arg5[%mul3A_166] : memref<25600xi32, #tpu.memory_space<vmem>> -> memref<128xi32, #tpu.memory_space<vmem>>
      %dma_start3A_171 = arith.constant 0 : i32
      %dma_start3A_172 = arith.constant 0 : i32
      %dma_start3A_173 = tpu.memref_slice %arg3[%dma_start3A_171, %dma_start3A_172] : memref<1000000x64xf32, #tpu.memory_space<hbm>> -> memref<1000000x64xf32, #tpu.memory_space<hbm>>
      tpu.enqueue_indirect_dma source(%dma_start3A_173 : memref<1000000x64xf32, #tpu.memory_space<hbm>>) target(%dma_start3A_169 : memref<128x64xf32, #tpu.memory_space<vmem>>) offsets(%dma_start3A_170 : memref<128xi32, #tpu.memory_space<vmem>>) semaphore(%arg8 : memref<!tpu.dma_semaphore, #tpu.memory_space<semaphore_mem>>)
      %mul3A_174 = arith.constant 5 : i32
      %mul3A_175 = arith.muli %add3A_147, %mul3A_174 : i32
      %add3A_176 = arith.constant 2 : i32
      %add3A_177 = arith.addi %mul3A_175, %add3A_176 : i32
      %mul3A_178 = arith.constant 128 : i32
      %mul3A_179 = arith.muli %add3A_177, %mul3A_178 : i32
      %dma_start3A_180 = arith.constant 256 : i32
      %dma_start3A_181 = arith.constant 0 : i32
      %dma_start3A_182 = tpu.memref_slice %arg6[%dma_start3A_180, %dma_start3A_181] : memref<640x64xf32, #tpu.memory_space<vmem>> -> memref<128x64xf32, #tpu.memory_space<vmem>>
      %dma_start3A_183 = tpu.memref_slice %arg5[%mul3A_179] : memref<25600xi32, #tpu.memory_space<vmem>> -> memref<128xi32, #tpu.memory_space<vmem>>
      %dma_start3A_184 = arith.constant 0 : i32
      %dma_start3A_185 = arith.constant 0 : i32
      %dma_start3A_186 = tpu.memref_slice %arg3[%dma_start3A_184, %dma_start3A_185] : memref<1000000x64xf32, #tpu.memory_space<hbm>> -> memref<1000000x64xf32, #tpu.memory_space<hbm>>
      tpu.enqueue_indirect_dma source(%dma_start3A_186 : memref<1000000x64xf32, #tpu.memory_space<hbm>>) target(%dma_start3A_182 : memref<128x64xf32, #tpu.memory_space<vmem>>) offsets(%dma_start3A_183 : memref<128xi32, #tpu.memory_space<vmem>>) semaphore(%arg8 : memref<!tpu.dma_semaphore, #tpu.memory_space<semaphore_mem>>)
      %mul3A_187 = arith.constant 5 : i32
      %mul3A_188 = arith.muli %add3A_147, %mul3A_187 : i32
      %add3A_189 = arith.constant 3 : i32
      %add3A_190 = arith.addi %mul3A_188, %add3A_189 : i32
      %mul3A_191 = arith.constant 128 : i32
      %mul3A_192 = arith.muli %add3A_190, %mul3A_191 : i32
      %dma_start3A_193 = arith.constant 384 : i32
      %dma_start3A_194 = arith.constant 0 : i32
      %dma_start3A_195 = tpu.memref_slice %arg6[%dma_start3A_193, %dma_start3A_194] : memref<640x64xf32, #tpu.memory_space<vmem>> -> memref<128x64xf32, #tpu.memory_space<vmem>>
      %dma_start3A_196 = tpu.memref_slice %arg5[%mul3A_192] : memref<25600xi32, #tpu.memory_space<vmem>> -> memref<128xi32, #tpu.memory_space<vmem>>
      %dma_start3A_197 = arith.constant 0 : i32
      %dma_start3A_198 = arith.constant 0 : i32
      %dma_start3A_199 = tpu.memref_slice %arg3[%dma_start3A_197, %dma_start3A_198] : memref<1000000x64xf32, #tpu.memory_space<hbm>> -> memref<1000000x64xf32, #tpu.memory_space<hbm>>
      tpu.enqueue_indirect_dma source(%dma_start3A_199 : memref<1000000x64xf32, #tpu.memory_space<hbm>>) target(%dma_start3A_195 : memref<128x64xf32, #tpu.memory_space<vmem>>) offsets(%dma_start3A_196 : memref<128xi32, #tpu.memory_space<vmem>>) semaphore(%arg8 : memref<!tpu.dma_semaphore, #tpu.memory_space<semaphore_mem>>)
      %mul3A_200 = arith.constant 5 : i32
      %mul3A_201 = arith.muli %add3A_147, %mul3A_200 : i32
      %add3A_202 = arith.constant 4 : i32
      %add3A_203 = arith.addi %mul3A_201, %add3A_202 : i32
      %mul3A_204 = arith.constant 128 : i32
      %mul3A_205 = arith.muli %add3A_203, %mul3A_204 : i32
      %dma_start3A_206 = arith.constant 512 : i32
      %dma_start3A_207 = arith.constant 0 : i32
      %dma_start3A_208 = tpu.memref_slice %arg6[%dma_start3A_206, %dma_start3A_207] : memref<640x64xf32, #tpu.memory_space<vmem>> -> memref<128x64xf32, #tpu.memory_space<vmem>>
      %dma_start3A_209 = tpu.memref_slice %arg5[%mul3A_205] : memref<25600xi32, #tpu.memory_space<vmem>> -> memref<128xi32, #tpu.memory_space<vmem>>
      %dma_start3A_210 = arith.constant 0 : i32
      %dma_start3A_211 = arith.constant 0 : i32
      %dma_start3A_212 = tpu.memref_slice %arg3[%dma_start3A_210, %dma_start3A_211] : memref<1000000x64xf32, #tpu.memory_space<hbm>> -> memref<1000000x64xf32, #tpu.memory_space<hbm>>
      tpu.enqueue_indirect_dma source(%dma_start3A_212 : memref<1000000x64xf32, #tpu.memory_space<hbm>>) target(%dma_start3A_208 : memref<128x64xf32, #tpu.memory_space<vmem>>) offsets(%dma_start3A_209 : memref<128xi32, #tpu.memory_space<vmem>>) semaphore(%arg8 : memref<!tpu.dma_semaphore, #tpu.memory_space<semaphore_mem>>)
      %dma_wait3A_213 = arith.constant 0 : i32
      %dma_wait3A_214 = tpu.memref_slice %arg4[%mul3A_2, %dma_wait3A_213] : memref<819200x64xf32, #tpu.memory_space<hbm>> -> memref<640x64xf32, #tpu.memory_space<hbm>>
      %dma_wait3A_215 = arith.constant 0 : i32
      %dma_wait3A_216 = tpu.memref_slice %arg4[%mul3A_2, %dma_wait3A_215] : memref<819200x64xf32, #tpu.memory_space<hbm>> -> memref<640x64xf32, #tpu.memory_space<hbm>>
      tpu.wait_dma2 semaphore(%arg11 : memref<!tpu.dma_semaphore, #tpu.memory_space<semaphore_mem>>) src(%arg7 : memref<640x64xf32, #tpu.memory_space<vmem>>) dst(%dma_wait3A_216 : memref<640x64xf32, #tpu.memory_space<hbm>>)
      %add3A_217 = arith.constant 3 : i32
      %add3A_218 = arith.addi %add3A_117, %add3A_217 : i32
      %mul3A_219 = arith.constant 5 : i32
      %mul3A_220 = arith.muli %add3A_218, %mul3A_219 : i32
      %add3A_221 = arith.constant 0 : i32
      %add3A_222 = arith.addi %mul3A_220, %add3A_221 : i32
      %mul3A_223 = arith.constant 128 : i32
      %mul3A_224 = arith.muli %add3A_222, %mul3A_223 : i32
      %dma_start3A_225 = arith.constant 0 : i32
      %dma_start3A_226 = arith.constant 0 : i32
      %dma_start3A_227 = tpu.memref_slice %arg7[%dma_start3A_225, %dma_start3A_226] : memref<640x64xf32, #tpu.memory_space<vmem>> -> memref<128x64xf32, #tpu.memory_space<vmem>>
      %dma_start3A_228 = tpu.memref_slice %arg5[%mul3A_224] : memref<25600xi32, #tpu.memory_space<vmem>> -> memref<128xi32, #tpu.memory_space<vmem>>
      %dma_start3A_229 = arith.constant 0 : i32
      %dma_start3A_230 = arith.constant 0 : i32
      %dma_start3A_231 = tpu.memref_slice %arg3[%dma_start3A_229, %dma_start3A_230] : memref<1000000x64xf32, #tpu.memory_space<hbm>> -> memref<1000000x64xf32, #tpu.memory_space<hbm>>
      tpu.enqueue_indirect_dma source(%dma_start3A_231 : memref<1000000x64xf32, #tpu.memory_space<hbm>>) target(%dma_start3A_227 : memref<128x64xf32, #tpu.memory_space<vmem>>) offsets(%dma_start3A_228 : memref<128xi32, #tpu.memory_space<vmem>>) semaphore(%arg9 : memref<!tpu.dma_semaphore, #tpu.memory_space<semaphore_mem>>)
      %mul3A_232 = arith.constant 5 : i32
      %mul3A_233 = arith.muli %add3A_218, %mul3A_232 : i32
      %add3A_234 = arith.constant 1 : i32
      %add3A_235 = arith.addi %mul3A_233, %add3A_234 : i32
      %mul3A_236 = arith.constant 128 : i32
      %mul3A_237 = arith.muli %add3A_235, %mul3A_236 : i32
      %dma_start3A_238 = arith.constant 128 : i32
      %dma_start3A_239 = arith.constant 0 : i32
      %dma_start3A_240 = tpu.memref_slice %arg7[%dma_start3A_238, %dma_start3A_239] : memref<640x64xf32, #tpu.memory_space<vmem>> -> memref<128x64xf32, #tpu.memory_space<vmem>>
      %dma_start3A_241 = tpu.memref_slice %arg5[%mul3A_237] : memref<25600xi32, #tpu.memory_space<vmem>> -> memref<128xi32, #tpu.memory_space<vmem>>
      %dma_start3A_242 = arith.constant 0 : i32
      %dma_start3A_243 = arith.constant 0 : i32
      %dma_start3A_244 = tpu.memref_slice %arg3[%dma_start3A_242, %dma_start3A_243] : memref<1000000x64xf32, #tpu.memory_space<hbm>> -> memref<1000000x64xf32, #tpu.memory_space<hbm>>
      tpu.enqueue_indirect_dma source(%dma_start3A_244 : memref<1000000x64xf32, #tpu.memory_space<hbm>>) target(%dma_start3A_240 : memref<128x64xf32, #tpu.memory_space<vmem>>) offsets(%dma_start3A_241 : memref<128xi32, #tpu.memory_space<vmem>>) semaphore(%arg9 : memref<!tpu.dma_semaphore, #tpu.memory_space<semaphore_mem>>)
      %mul3A_245 = arith.constant 5 : i32
      %mul3A_246 = arith.muli %add3A_218, %mul3A_245 : i32
      %add3A_247 = arith.constant 2 : i32
      %add3A_248 = arith.addi %mul3A_246, %add3A_247 : i32
      %mul3A_249 = arith.constant 128 : i32
      %mul3A_250 = arith.muli %add3A_248, %mul3A_249 : i32
      %dma_start3A_251 = arith.constant 256 : i32
      %dma_start3A_252 = arith.constant 0 : i32
      %dma_start3A_253 = tpu.memref_slice %arg7[%dma_start3A_251, %dma_start3A_252] : memref<640x64xf32, #tpu.memory_space<vmem>> -> memref<128x64xf32, #tpu.memory_space<vmem>>
      %dma_start3A_254 = tpu.memref_slice %arg5[%mul3A_250] : memref<25600xi32, #tpu.memory_space<vmem>> -> memref<128xi32, #tpu.memory_space<vmem>>
      %dma_start3A_255 = arith.constant 0 : i32
      %dma_start3A_256 = arith.constant 0 : i32
      %dma_start3A_257 = tpu.memref_slice %arg3[%dma_start3A_255, %dma_start3A_256] : memref<1000000x64xf32, #tpu.memory_space<hbm>> -> memref<1000000x64xf32, #tpu.memory_space<hbm>>
      tpu.enqueue_indirect_dma source(%dma_start3A_257 : memref<1000000x64xf32, #tpu.memory_space<hbm>>) target(%dma_start3A_253 : memref<128x64xf32, #tpu.memory_space<vmem>>) offsets(%dma_start3A_254 : memref<128xi32, #tpu.memory_space<vmem>>) semaphore(%arg9 : memref<!tpu.dma_semaphore, #tpu.memory_space<semaphore_mem>>)
      %mul3A_258 = arith.constant 5 : i32
      %mul3A_259 = arith.muli %add3A_218, %mul3A_258 : i32
      %add3A_260 = arith.constant 3 : i32
      %add3A_261 = arith.addi %mul3A_259, %add3A_260 : i32
      %mul3A_262 = arith.constant 128 : i32
      %mul3A_263 = arith.muli %add3A_261, %mul3A_262 : i32
      %dma_start3A_264 = arith.constant 384 : i32
      %dma_start3A_265 = arith.constant 0 : i32
      %dma_start3A_266 = tpu.memref_slice %arg7[%dma_start3A_264, %dma_start3A_265] : memref<640x64xf32, #tpu.memory_space<vmem>> -> memref<128x64xf32, #tpu.memory_space<vmem>>
      %dma_start3A_267 = tpu.memref_slice %arg5[%mul3A_263] : memref<25600xi32, #tpu.memory_space<vmem>> -> memref<128xi32, #tpu.memory_space<vmem>>
      %dma_start3A_268 = arith.constant 0 : i32
      %dma_start3A_269 = arith.constant 0 : i32
      %dma_start3A_270 = tpu.memref_slice %arg3[%dma_start3A_268, %dma_start3A_269] : memref<1000000x64xf32, #tpu.memory_space<hbm>> -> memref<1000000x64xf32, #tpu.memory_space<hbm>>
      tpu.enqueue_indirect_dma source(%dma_start3A_270 : memref<1000000x64xf32, #tpu.memory_space<hbm>>) target(%dma_start3A_266 : memref<128x64xf32, #tpu.memory_space<vmem>>) offsets(%dma_start3A_267 : memref<128xi32, #tpu.memory_space<vmem>>) semaphore(%arg9 : memref<!tpu.dma_semaphore, #tpu.memory_space<semaphore_mem>>)
      %mul3A_271 = arith.constant 5 : i32
      %mul3A_272 = arith.muli %add3A_218, %mul3A_271 : i32
      %add3A_273 = arith.constant 4 : i32
      %add3A_274 = arith.addi %mul3A_272, %add3A_273 : i32
      %mul3A_275 = arith.constant 128 : i32
      %mul3A_276 = arith.muli %add3A_274, %mul3A_275 : i32
      %dma_start3A_277 = arith.constant 512 : i32
      %dma_start3A_278 = arith.constant 0 : i32
      %dma_start3A_279 = tpu.memref_slice %arg7[%dma_start3A_277, %dma_start3A_278] : memref<640x64xf32, #tpu.memory_space<vmem>> -> memref<128x64xf32, #tpu.memory_space<vmem>>
      %dma_start3A_280 = tpu.memref_slice %arg5[%mul3A_276] : memref<25600xi32, #tpu.memory_space<vmem>> -> memref<128xi32, #tpu.memory_space<vmem>>
      %dma_start3A_281 = arith.constant 0 : i32
      %dma_start3A_282 = arith.constant 0 : i32
      %dma_start3A_283 = tpu.memref_slice %arg3[%dma_start3A_281, %dma_start3A_282] : memref<1000000x64xf32, #tpu.memory_space<hbm>> -> memref<1000000x64xf32, #tpu.memory_space<hbm>>
      tpu.enqueue_indirect_dma source(%dma_start3A_283 : memref<1000000x64xf32, #tpu.memory_space<hbm>>) target(%dma_start3A_279 : memref<128x64xf32, #tpu.memory_space<vmem>>) offsets(%dma_start3A_280 : memref<128xi32, #tpu.memory_space<vmem>>) semaphore(%arg9 : memref<!tpu.dma_semaphore, #tpu.memory_space<semaphore_mem>>)
    }
    %scan3A_85 = arith.constant 19 : i32
    %dma_wait3A = arith.constant 0 : i32
    %dma_wait3A_86 = tpu.memref_slice %arg4[%mul3A_2, %dma_wait3A] : memref<819200x64xf32, #tpu.memory_space<hbm>> -> memref<640x64xf32, #tpu.memory_space<hbm>>
    %dma_wait3A_87 = arith.constant 0 : i32
    %dma_wait3A_88 = tpu.memref_slice %arg4[%mul3A_2, %dma_wait3A_87] : memref<819200x64xf32, #tpu.memory_space<hbm>> -> memref<640x64xf32, #tpu.memory_space<hbm>>
    tpu.wait_dma2 semaphore(%arg8 : memref<!tpu.dma_semaphore, #tpu.memory_space<semaphore_mem>>) src(%dma_wait3A_88 : memref<640x64xf32, #tpu.memory_space<hbm>>) dst(%arg6 : memref<640x64xf32, #tpu.memory_space<vmem>>)
    %add3A_89 = arith.constant 24320 : i32
    %add3A_90 = arith.addi %mul3A_2, %add3A_89 : i32
    %dma_start3A_91 = arith.constant 0 : i32
    %dma_start3A_92 = tpu.memref_slice %arg4[%add3A_90, %dma_start3A_91] : memref<819200x64xf32, #tpu.memory_space<hbm>> -> memref<640x64xf32, #tpu.memory_space<hbm>>
    %dma_start3A_93 = arith.constant 0 : i32
    %dma_start3A_94 = tpu.memref_slice %arg4[%add3A_90, %dma_start3A_93] : memref<819200x64xf32, #tpu.memory_space<hbm>> -> memref<640x64xf32, #tpu.memory_space<hbm>>
    tpu.enqueue_dma source(%arg6 : memref<640x64xf32, #tpu.memory_space<vmem>>) target(%dma_start3A_94 : memref<640x64xf32, #tpu.memory_space<hbm>>) target_semaphore(%arg10 : memref<!tpu.dma_semaphore, #tpu.memory_space<semaphore_mem>>)
    %dma_wait3A_95 = arith.constant 0 : i32
    %dma_wait3A_96 = tpu.memref_slice %arg4[%mul3A_2, %dma_wait3A_95] : memref<819200x64xf32, #tpu.memory_space<hbm>> -> memref<640x64xf32, #tpu.memory_space<hbm>>
    %dma_wait3A_97 = arith.constant 0 : i32
    %dma_wait3A_98 = tpu.memref_slice %arg4[%mul3A_2, %dma_wait3A_97] : memref<819200x64xf32, #tpu.memory_space<hbm>> -> memref<640x64xf32, #tpu.memory_space<hbm>>
    tpu.wait_dma2 semaphore(%arg9 : memref<!tpu.dma_semaphore, #tpu.memory_space<semaphore_mem>>) src(%dma_wait3A_98 : memref<640x64xf32, #tpu.memory_space<hbm>>) dst(%arg7 : memref<640x64xf32, #tpu.memory_space<vmem>>)
    %add3A_99 = arith.constant 24960 : i32
    %add3A_100 = arith.addi %mul3A_2, %add3A_99 : i32
    %dma_start3A_101 = arith.constant 0 : i32
    %dma_start3A_102 = tpu.memref_slice %arg4[%add3A_100, %dma_start3A_101] : memref<819200x64xf32, #tpu.memory_space<hbm>> -> memref<640x64xf32, #tpu.memory_space<hbm>>
    %dma_start3A_103 = arith.constant 0 : i32
    %dma_start3A_104 = tpu.memref_slice %arg4[%add3A_100, %dma_start3A_103] : memref<819200x64xf32, #tpu.memory_space<hbm>> -> memref<640x64xf32, #tpu.memory_space<hbm>>
    tpu.enqueue_dma source(%arg7 : memref<640x64xf32, #tpu.memory_space<vmem>>) target(%dma_start3A_104 : memref<640x64xf32, #tpu.memory_space<hbm>>) target_semaphore(%arg11 : memref<!tpu.dma_semaphore, #tpu.memory_space<semaphore_mem>>)
    %dma_wait3A_105 = arith.constant 0 : i32
    %dma_wait3A_106 = tpu.memref_slice %arg4[%mul3A_2, %dma_wait3A_105] : memref<819200x64xf32, #tpu.memory_space<hbm>> -> memref<640x64xf32, #tpu.memory_space<hbm>>
    %dma_wait3A_107 = arith.constant 0 : i32
    %dma_wait3A_108 = tpu.memref_slice %arg4[%mul3A_2, %dma_wait3A_107] : memref<819200x64xf32, #tpu.memory_space<hbm>> -> memref<640x64xf32, #tpu.memory_space<hbm>>
    tpu.wait_dma2 semaphore(%arg10 : memref<!tpu.dma_semaphore, #tpu.memory_space<semaphore_mem>>) src(%arg6 : memref<640x64xf32, #tpu.memory_space<vmem>>) dst(%dma_wait3A_108 : memref<640x64xf32, #tpu.memory_space<hbm>>)
    %dma_wait3A_109 = arith.constant 0 : i32
    %dma_wait3A_110 = tpu.memref_slice %arg4[%mul3A_2, %dma_wait3A_109] : memref<819200x64xf32, #tpu.memory_space<hbm>> -> memref<640x64xf32, #tpu.memory_space<hbm>>
    %dma_wait3A_111 = arith.constant 0 : i32
    %dma_wait3A_112 = tpu.memref_slice %arg4[%mul3A_2, %dma_wait3A_111] : memref<819200x64xf32, #tpu.memory_space<hbm>> -> memref<640x64xf32, #tpu.memory_space<hbm>>
    tpu.wait_dma2 semaphore(%arg11 : memref<!tpu.dma_semaphore, #tpu.memory_space<semaphore_mem>>) src(%arg7 : memref<640x64xf32, #tpu.memory_space<vmem>>) dst(%dma_wait3A_112 : memref<640x64xf32, #tpu.memory_space<hbm>>)
    return
  }
}

module attributes {stable_mosaic.version = 14 : i64} {
  func.func @_pe_body(%arg0: memref<200x64xf32, #tpu.memory_space<vmem>>) attributes {dimension_semantics = [], scalar_prefetch = 0 : i64, scratch_operands = 0 : i64, tpu.core_type = #tpu.core_type<tc>} {
    %iota3A = tpu.iota {dimensions = array<i32: 0>} : vector<200x64xi32>
    %convert_element_type3A = arith.sitofp %iota3A : vector<200x64xi32> to vector<200x64xf32>
    %iota3A_0 = tpu.iota {dimensions = array<i32: 1>} : vector<200x64xi32>
    %jit3A = arith.constant 2 : i32
    %div3A = vector.broadcast %jit3A : i32 to vector<200x64xi32>
    %div3A_1 = arith.divsi %iota3A_0, %div3A : vector<200x64xi32>
    %sign3A = arith.constant 0 : i32
    %sign3A_2 = vector.broadcast %sign3A : i32 to vector<200x64xi32>
    %sign3A_3 = arith.cmpi sgt, %iota3A_0, %sign3A_2 : vector<200x64xi32>
    %sign3A_4 = arith.extui %sign3A_3 : vector<200x64xi1> to vector<200x64xi32>
    %sign3A_5 = arith.constant 0 : i32
    %sign3A_6 = vector.broadcast %sign3A_5 : i32 to vector<200x64xi32>
    %sign3A_7 = arith.cmpi slt, %iota3A_0, %sign3A_6 : vector<200x64xi32>
    %sign3A_8 = arith.extui %sign3A_7 : vector<200x64xi1> to vector<200x64xi32>
    %sign3A_9 = arith.subi %sign3A_4, %sign3A_8 : vector<200x64xi32>
    %sign3A_10 = arith.constant 0 : i32
    %sign3A_11 = arith.cmpi sgt, %jit3A, %sign3A_10 : i32
    %sign3A_12 = arith.extui %sign3A_11 : i1 to i32
    %sign3A_13 = arith.constant 0 : i32
    %sign3A_14 = arith.cmpi slt, %jit3A, %sign3A_13 : i32
    %sign3A_15 = arith.extui %sign3A_14 : i1 to i32
    %sign3A_16 = arith.subi %sign3A_12, %sign3A_15 : i32
    %ne3A = vector.broadcast %sign3A_16 : i32 to vector<200x64xi32>
    %ne3A_17 = arith.cmpi ne, %sign3A_9, %ne3A : vector<200x64xi32>
    %rem3A = vector.broadcast %jit3A : i32 to vector<200x64xi32>
    %rem3A_18 = arith.remsi %iota3A_0, %rem3A : vector<200x64xi32>
    %ne3A_19 = arith.constant 0 : i32
    %ne3A_20 = vector.broadcast %ne3A_19 : i32 to vector<200x64xi32>
    %ne3A_21 = arith.cmpi ne, %rem3A_18, %ne3A_20 : vector<200x64xi32>
    %and3A = arith.andi %ne3A_17, %ne3A_21 : vector<200x64xi1>
    %sub3A = arith.constant 1 : i32
    %sub3A_22 = vector.broadcast %sub3A : i32 to vector<200x64xi32>
    %sub3A_23 = arith.subi %div3A_1, %sub3A_22 : vector<200x64xi32>
    %select_n3A = arith.select %and3A, %sub3A_23, %div3A_1 : vector<200x64xi1>, vector<200x64xi32>
    %convert_element_type3A_24 = arith.sitofp %select_n3A : vector<200x64xi32> to vector<200x64xf32>
    %mul3A = arith.constant -0.287823141 : f32
    %mul3A_25 = vector.broadcast %mul3A : f32 to vector<200x64xf32>
    %mul3A_26 = arith.mulf %convert_element_type3A_24, %mul3A_25 : vector<200x64xf32>
    %exp3A = math.exp %mul3A_26 : vector<200x64xf32>
    %mul3A_27 = arith.mulf %convert_element_type3A, %exp3A : vector<200x64xf32>
    %jit3A_28 = arith.constant 2 : i32
    %eq3A = arith.constant 0 : i32
    %eq3A_29 = arith.cmpi eq, %jit3A_28, %eq3A : i32
    %jit3A_30 = arith.constant 1 : i32
    %select_n3A_31 = arith.select %eq3A_29, %jit3A_30, %jit3A_28 : i32
    %rem3A_32 = vector.broadcast %select_n3A_31 : i32 to vector<200x64xi32>
    %rem3A_33 = arith.remsi %iota3A_0, %rem3A_32 : vector<200x64xi32>
    %ne3A_34 = arith.constant 0 : i32
    %ne3A_35 = vector.broadcast %ne3A_34 : i32 to vector<200x64xi32>
    %ne3A_36 = arith.cmpi ne, %rem3A_33, %ne3A_35 : vector<200x64xi32>
    %lt3A = arith.constant 0 : i32
    %lt3A_37 = vector.broadcast %lt3A : i32 to vector<200x64xi32>
    %lt3A_38 = arith.cmpi slt, %rem3A_33, %lt3A_37 : vector<200x64xi32>
    %lt3A_39 = arith.constant 0 : i32
    %lt3A_40 = arith.cmpi slt, %select_n3A_31, %lt3A_39 : i32
    %ne3A_41 = vector.broadcast %lt3A_40 : i1 to vector<200x64xi1>
    %ne3A_42 = vector.broadcast %ne3A_41 : vector<200x64xi1> to vector<200x64xi1>
    %ne3A_43 = arith.xori %lt3A_38, %ne3A_42 : vector<200x64xi1>
    %and3A_44 = arith.andi %ne3A_43, %ne3A_36 : vector<200x64xi1>
    %add3A = vector.broadcast %select_n3A_31 : i32 to vector<200x64xi32>
    %add3A_45 = arith.addi %rem3A_33, %add3A : vector<200x64xi32>
    %select_n3A_46 = arith.select %and3A_44, %add3A_45, %rem3A_33 : vector<200x64xi1>, vector<200x64xi32>
    %eq3A_47 = arith.constant 1 : i32
    %eq3A_48 = vector.broadcast %eq3A_47 : i32 to vector<200x64xi32>
    %eq3A_49 = arith.cmpi eq, %select_n3A_46, %eq3A_48 : vector<200x64xi32>
    %cos3A = math.cos %mul3A_27 : vector<200x64xf32>
    %sin3A = math.sin %mul3A_27 : vector<200x64xf32>
    %select_n3A_50 = arith.select %eq3A_49, %cos3A, %sin3A : vector<200x64xi1>, vector<200x64xf32>
    %swap3A = arith.constant 0 : index
    %swap3A_51 = arith.constant 0 : index
    %swap3A_52 = vector.load %arg0[%swap3A, %swap3A_51] : memref<200x64xf32, #tpu.memory_space<vmem>>, vector<200x64xf32>
    tpu.vector_store %arg0[%swap3A, %swap3A_51], %select_n3A_50 {strides = array<i32>} : memref<200x64xf32, #tpu.memory_space<vmem>>, vector<200x64xf32>,
    return
  }
}

</mosaic_0001>

<sc_bundles>
// kernel: kernel.4.cloned.1.call-start
scs
__scs_entry_jumppad:
0x0: {  	(pc) =	sbr.rel $0x88, $3  }
0x1: {  	(tag) =	ssettag $0x0;
	lr =	simm.s32 $0x1  }
0x2: {  	[smem:$0x3F9F] =	sst lr;
	_ =	strace $0xD0000000  }
0x3: {  	_ = 	snop  }
0x4: {  	_ = 	snop  }
0x5: {  	_ = 	snop  }
0x6: {  	_ = 	snop  }
0x7: {  	_ = 	snop  }
__scs_overlays_trampoline_lowered:
0x8: {  	[smem:$0x3FAE] =	sst s0  }
0x9: {  	[smem:$0x3FAF] =	sst s1  }
0xa: {  	[smem:$0x3FB0] =	sst s2  }
0xb: {  	[smem:$0x3FB1] =	sst s3  }
0xc: {  	[smem:$0x3FB2] =	sst s4  }
0xd: {  	[smem:$0x3FB3] =	sst s5  }
0xe: {  	[smem:$0x3FB4] =	sst s6  }
0xf: {  	[smem:$0x3FB5] =	sst s7  }
0x10: {  	[smem:$0x3FB6] =	sst s8  }
0x11: {  	[smem:$0x3FB7] =	sst s9;
	s0 =	simm.s32 @!p0 $0x0  }
0x12: {  	s1 =	sld [smem:$0x3F9D];
	s0 =	simm.s32 @p0 $0x1  }
0x13: {  	[smem:$0x3FB8] =	sst s0;
	s0 =	simm.s32 @!p1 $0x0  }
0x14: {  	s2 =	sld [smem:$0x3F9C];
	s0 =	simm.s32 @p1 $0x1  }
0x15: {  	[smem:$0x3FB9] =	sst s0;
	s0 =	simm.s32 @!p2 $0x0  }
0x16: {  	s3 =	sld [smem:$0x3FDB];
	s0 =	simm.s32 @p2 $0x1  }
0x17: {  	s4 =	simm.s32 $0x1BF5;
	[smem:$0x3FBB] =	sst s0  }
0x18: {  	s0 =	sld [smem:$0x3F9E];
	_ =	swait.ge [sflag:s4], $0x0  }
0x19: {  	s7 =	sld [smem:$0x3F9F]  }
0x1a: {  	s8 =	sadd.s32 $0xFFFFE003, lr  }
0x1b: {  	s9 =	sadd.s32 $0xFFFFFEF7, lr;
	s5 =	simm.s32 $0xFFFFFFFF;
	p2 =	slt.u32 s8, $0xFFFFF086  }
0x1c: {  	p1 =	slt.u32 s9, $0xF7A;
	s5 =	simm.s32 @!p2 $0x0  }
0x1d: {  	s5 =	simm.s32 @p1 $0x1;
	p0 =	seq.s32 s7, s2  }
0x1e: {  	s7 =	smul.u32 @!p0 $0xF7A, s2;
	p2 =	seq.s32 @!p0 s5, $0x0  }
0x1f: {  	s9 =	smul.u32 $0xF7A, s1;
	s8 =	simm.s32 @!p0 $0x1BF5;
	p2 =	por !p2, p0  }
0x20: {  	[sflag:s8] =	ssyncset.s32 @!p0 $0xFFFFF086;
	s6 =	sadd.s32 @!p0 s3, s7;
	s7 =	simm.s32 @!p0 $0x108  }
0x21: {  	s3 =	sadd.s32 s3, s9;
	s6 =	sadd.s32 @!p0 $0x88, s6;
	s7 =	simm.s32 @p2 $0x1082  }
0x22: {  	[simem:s7], [sflag:s8] =	dma.local @!p0 [hbm:s6], $0xF7A  }
0x23: {  	s9 =	sor.u32 $0xD0000000, s2;
	s6 =	simm.s32 $0x108;
	_ =	swait.ge @!p0 [sflag:s8], $0x0  }
0x24: {  	s3 =	sadd.s32 $0x88, s3;
	s6 =	simm.s32 @!p1 $0x1082;
	[sflag:s4] =	ssyncset.s32 $0xFFFFF086  }
0x25: {  	[simem:s6], [sflag:s4] =	dma.local [hbm:s3], $0xF7A  }
0x26: {  	[smem:$0x3F9F] =	sst s1;
	(tag) =	ssettag s2;
	_ =	strace s9  }
0x27: {  	s1 =	sld [smem:$0x3FAF]  }
0x28: {  	s2 =	sld [smem:$0x3FB0]  }
0x29: {  	s4 =	sld [smem:$0x3FB2]  }
0x2a: {  	p0 =	seq.s32 s5, $0x0;
	s5 =	sld [smem:$0x3FB3]  }
0x2b: {  	s6 =	sld [smem:$0x3FB4]  }
0x2c: {  	s7 =	sld [smem:$0x3FB5]  }
0x2d: {  	s3 =	simm.s32 $0x108;
	s8 =	sld [smem:$0x3FB6]  }
0x2e: {  	s3 =	simm.s32 @!p0 $0x1082;
	s9 =	sld [smem:$0x3FB7]  }
0x2f: {  	lr =	sadd.s32 s0, s3;
	s0 =	sld [smem:$0x3FAE]  }
0x30: {  	s3 =	sld [smem:$0x3FB1]  }
0x31: {  	[smem:$0x3FBA] =	sst s10  }
0x32: {  	s10 =	sld [smem:$0x3FB8];
	_ =	sdelay $0x3  }
0x33: {  	p0 =	seq.s32 s10, $0x1;
	s10 =	sld [smem:$0x3FBA];
	_ =	sdelay $0x3  }
0x34: {  	[smem:$0x3FBA] =	sst s10  }
0x35: {  	s10 =	sld [smem:$0x3FB9];
	_ =	sdelay $0x3  }
0x36: {  	p1 =	seq.s32 s10, $0x1;
	s10 =	sld [smem:$0x3FBA];
	_ =	sdelay $0x3  }
0x37: {  	[smem:$0x3FBA] =	sst s10  }
0x38: {  	s10 =	sld [smem:$0x3FBB]  }
0x39: {  	_ = 	snop;
	(pc) =	sbr.ind lr, $3  }
0x3a: {  	_ = 	snop  }
0x3b: {  	_ = 	snop  }
0x3c: {  	p2 =	seq.s32 s10, $0x1;
	s10 =	sld [smem:$0x3FBA]  }
0x3d: {  	_ =	shalt  }
0x3e: {  	_ =	shalt  }
0x3f: {  	_ =	shalt  }
0x40: {  	_ =	shalt  }
0x41: {  	_ =	shalt  }
0x42: {  	_ =	shalt  }
0x43: {  	_ =	shalt  }
0x44: {  	_ =	shalt  }
0x45: {  	_ =	shalt  }
0x46: {  	_ =	shalt  }
0x47: {  	_ =	shalt  }
0x48: {  	_ =	shalt  }
0x49: {  	_ =	shalt  }
0x4a: {  	_ =	shalt  }
0x4b: {  	_ =	shalt  }
0x4c: {  	_ =	shalt  }
0x4d: {  	_ =	shalt  }
0x4e: {  	_ =	shalt  }
0x4f: {  	_ =	shalt  }
0x50: {  	_ =	shalt  }
0x51: {  	_ =	shalt  }
0x52: {  	_ =	shalt  }
0x53: {  	_ =	shalt  }
0x54: {  	_ =	shalt  }
0x55: {  	_ =	shalt  }
0x56: {  	_ =	shalt  }
0x57: {  	_ =	shalt  }
0x58: {  	_ =	shalt  }
0x59: {  	_ =	shalt  }
0x5a: {  	_ =	shalt  }
0x5b: {  	_ =	shalt  }
0x5c: {  	_ =	shalt  }
0x5d: {  	_ =	shalt  }
0x5e: {  	_ =	shalt  }
0x5f: {  	_ =	shalt  }
0x60: {  	_ =	shalt  }
0x61: {  	_ =	shalt  }
0x62: {  	_ =	shalt  }
0x63: {  	_ =	shalt  }
0x64: {  	_ =	shalt  }
0x65: {  	_ =	shalt  }
0x66: {  	_ =	shalt  }
0x67: {  	_ =	shalt  }
0x68: {  	_ =	shalt  }
0x69: {  	_ =	shalt  }
0x6a: {  	_ =	shalt  }
0x6b: {  	_ =	shalt  }
0x6c: {  	_ =	shalt  }
0x6d: {  	_ =	shalt  }
0x6e: {  	_ =	shalt  }
0x6f: {  	_ =	shalt  }
0x70: {  	_ =	shalt  }
0x71: {  	_ =	shalt  }
0x72: {  	_ =	shalt  }
0x73: {  	_ =	shalt  }
0x74: {  	_ =	shalt  }
0x75: {  	_ =	shalt  }
0x76: {  	_ =	shalt  }
0x77: {  	_ =	shalt  }
0x78: {  	_ =	shalt  }
0x79: {  	_ =	shalt  }
0x7a: {  	_ =	shalt  }
0x7b: {  	_ =	shalt  }
0x7c: {  	_ =	shalt  }
0x7d: {  	_ =	shalt  }
0x7e: {  	_ =	shalt  }
0x7f: {  	_ =	shalt  }
0x80: {  	_ =	shalt  }
0x81: {  	_ =	shalt  }
0x82: {  	_ =	shalt  }
0x83: {  	_ =	shalt  }
0x84: {  	_ =	shalt  }
0x85: {  	_ =	shalt  }
0x86: {  	_ =	shalt  }
0x87: {  	_ =	shalt  }
.Lfunc_end0:
.L_simem_size_0:
called_computation.1_lowered:
.L_overlay_start_0:
0x88: {  	s2 =	sld [smem:$0x3FD9]  }
0x89: {  	s3 =	sld [smem:$0x3FFE];
	_ =	sdelay $0x1  }
0x8a: {  	s1 =	srdreg.scid  }
0x8b: {  	s0 =	sand.u32 $0x1, s1  }
0x8c: {  	s14 =	sshll.u32 s0, $0xA;
	s2 =	sadd.s32 s3, s2  }
0x8d: {  	s2 =	sadd.s32 s2, s14  }
0x8e: {  	[smem:$0x3FC6] =	sst s2  }
0x8f: {  	_ = 	snop  }
0x90: {  	s2 =	sld [smem:$0x3FD0];
	_ =	sdelay $0x2  }
0x91: {  	s15 =	simm.s32 $0xA;
	s4 =	simm.s32 $0x10  }
0x92: {  	[smem:s4], [sflag:s15] =	dma.local [hbm:s2], $0x1  }
0x93: {  	_ =	swait.eq [sflag:s15], $0x1  }
0x94: {  	[sflag:s15] =	ssyncset.done $0x0  }
0x95: {  	[sflag:s15] =	ssyncadd.s32 $0xFFFFFFFF  }
0x96: {  	s16 =	sld [smem:$0x10];
	(tm) =	ssettm $0x1  }
0x97: {  	s17 =	sld [smem:$0x3FFB];
	_ =	sdelay $0x3  }
0x98: {  	_ =	strace s17  }
0x99: {  	s3 =	sld [smem:$0x3FFC];
	_ =	sdelay $0x3  }
0x9a: {  	_ =	strace s3  }
0x9b: {  	s3 =	sld [smem:$0x3FFD];
	_ =	sdelay $0x3  }
0x9c: {  	_ =	strace s3  }
0x9d: {  	_ =	strace $0x8FFFFFFF  }
0x9e: {  	s18 =	sld [smem:$0x3FDB];
	_ =	sdelay $0x1  }
0x9f: {  	s19 =	simm.s32 $_scs_section_size  }
0xa0: {  	s5 =	simm.s32 $_size__tile_overlayer_lowered;
	s6 =	simm.s32 $_tile_overlayer_lowered  }
0xa1: {  	s22 =	simm.s32 $0x1BFF;
	s21 =	sshll.u32 s6, $0x1;
	s3 =	sadd.s32 s19, s18  }
0xa2: {  	s7 =	simm.s32 $0x0;
	s20 =	sshll.u32 s5, $0x1;
	s5 =	sadd.s32 s21, s3  }
0xa3: {  	[timem:s7], [sflag:s22] =	dma.local [hbm:s5], s20  }
0xa4: {  	_ =	swait.ge [sflag:s22], s20  }
0xa5: {  	s4 =	ssub.s32 $0x0, s20;
	[sflag:s22] =	ssyncset.done $0x0  }
0xa6: {  	[sflag:s22] =	ssyncadd.s32 s4;
	_ =	sdelay $0x1  }
0xa7: {  	s23 =	simm.s32 $0x1B8B  }
0xa8: {  	_ =	swait.ge [sflag:s23], $0x1  }
0xa9: {  	[sflag:s23] =	ssyncset.done $0x0  }
0xaa: {  	s25 =	simm.s32 $0x1B8E;
	s24 =	sld [smem:$0x3FFE];
	[sflag:s23] =	ssyncadd.s32 $0xFFFFFFFF  }
0xab: {  	s26 =	simm.s32 $execute0_lowered;
	[smem:$0x3FD2] =	sst s25  }
0xac: {  	s5 =	sshll.u32 s26, $0x1;
	_ =	strace $0x80000046;
	[dreg:$0x1] =	wrdreg $0xFFFFFFFF  }
0xad: {  	s28 =	simm.s32 $_size_execute0_lowered;
	s3 =	sadd.s32 s3, s5;
	[dreg:$0x0] =	wrdreg $0x0  }
0xae: {  	s5 =	sshll.u32 s28, $0x1;
	[dreg:$0x2] =	wrdreg s3  }
0xaf: {  	[dreg:$0x3] =	wrdreg s5  }
0xb0: {  	[dreg:$0x4] =	wrdreg $0xC0  }
0xb1: {  	_ =	task [dreg:s7], $0x5FFFF  }
0xb2: {  	[dreg:$0x1] =	wrdreg $0xFFFFFFFF  }
0xb3: {  	[dreg:$0x0] =	wrdreg $0x60  }
0xb4: {  	[dreg:$0x2] =	wrdreg s24  }
0xb5: {  	[dreg:$0x3] =	wrdreg s16  }
0xb6: {  	[dreg:$0x4] =	wrdreg $0x9  }
0xb7: {  	_ =	task.clear_ibuf [dreg:s7], $0x5FFFF;
	_ =	strace $0x90000046  }
0xb8: {  	s29 =	simm.s32 $0x9;
	_ =	strace $0x80000048  }
0xb9: {  	_ =	swait.ge [sflag:s29], $0x1  }
0xba: {  	[sflag:s29] =	ssyncadd.s32 $0xFFFFFFFF  }
0xbb: {  	_ =	strace $0x90000048  }
0xbc: {  	_ =	sfence  }
0xbd: {  	s30 =	sld [smem:$0x0];
	_ =	sdelay $0x2  }
0xbe: {  	s31 =	sshll.u32 s1, $0xD;
	s1 =	sshrl.u32 s1, $0x2  }
0xbf: {  	s3 =	sand.u32 $0x4000, s31;
	s1 =	sadd.s32 s1, s30  }
0xc0: {  	s0 =	sor.u32 s3, s0;
	s1 =	sshll.u32 s1, $0x11  }
0xc1: {  	s0 =	sor.u32 s1, s0  }
0xc2: {  	s0 =	sadd.s32 $0x8F2B, s0  }
0xc3: {  	[sflag:s0] =	ssyncadd.remote.s32 $0x1  }
0xc4: {  	_ =	sfence.sel $0xFFFF  }
0xc5: {  	[dreg:$0x0] =	wrdreg $0xFFFFFFFF;
	(pc) =	sbr.abs _section_cstart, $3  }
0xc6: {  	[dreg:$0x1] =	wrdreg $0xFFFFFFFF  }
0xc7: {  	_ =	task.clear_ibuf [dreg:s7], $0x2FFFF;
	_ =	strace $0x9FFFFFFF  }
0xc8: {  	(tm) =	ssettm $0x7FFFFFFF  }
0xc9: {  	_ =	shalt  }
tec
execute0_lowered:
.L_overlay_start_1:
0x0: {  	(tag) =	ssettag $0x1  }
0x1: {  	s0 =	srdreg.scid;
	s3 =	rddreg [dreg:$0x0]  }
0x2: {  	s10 =	stileid.u32;
	s8 =	rddreg [dreg:$0x1]  }
0x3: {  	s2 =	simm.s32 $0x0;
	s11 =	simm.s32 $0x80;
	s12 =	simm.s32 $0x6400  }
0x4: {  	s13 =	simm.s32 $0x8400;
	s15 =	simm.s32 $0xA400;
	s17 =	simm.s32 $0xC400  }
0x5: {  	s19 =	simm.s32 $0xE400;
	s21 =	simm.s32 $0x10400;
	s23 =	simm.s32 $0x12400  }
0x6: {  	s28 =	simm.s32 $0x16400;
	s29 =	simm.s32 $0x480;
	s6 =	smul.u32 $0xC800, s10  }
0x7: {  	s0 =	sand.u32 $0x1, s0;
	s1 =	sshll.u32 s10, $0x1;
	s10 =	smul.u32 $0x64000, s10  }
0x8: {  	s30 =	simm.s32 $0x18400;
	s31 =	simm.s32 $0x1;
	s9 =	smul.u32 $0x6400, s0  }
0x9: {  	s1 =	sor.u32 s0, s1;
	s5 =	ssub.s32 $0x2, s0;
	s0 =	smul.u32 $0x32000, s0  }
0xa: {  	s14 =	simm.s32 $0x4;
	[smem:$0x7FF] =	sst s2;
	s4 =	smul.u32 $0x6400, s1  }
0xb: {  	s16 =	simm.s32 $0x0;
	_ =	strace $0x80000047;
	s1 =	smul.u32 $0x190000, s1  }
0xc: {  	s7 =	sshrl.u32 s5, $0x1;
	s26 =	sadd.s32 s10, s8;
	s10 =	simm.s32 $0x5  }
0xd: {  	s7 =	ssub.s32 s5, s7;
	s9 =	sadd.s32 s9, s6;
	s4 =	sshrl.u32 s4, $0x3  }
0xe: {  	s1 =	sshrl.u32 s1, $0x3;
	s25 =	sshll.u32 s9, $0x3;
	s7 =	smax.u32 s7, $0x1  }
0xf: {  	s9 =	sadd.s32 s0, s26;
	s0 =	simm.s32 $0x3;
	s4 =	sadd.s32 s4, s3  }
0x10: {  	s3 =	sadd.s32 $0xF42E00, s3;
	s1 =	sadd.s32 s8, s1;
	s4 =	sadd.s32 $0xA00, s4  }
0x11: {  	s5 =	sadd.s32 $0x2F800, s1;
	s6 =	sadd.s32 $0x30C00, s1;
	s1 =	sadd.s32 s25, s8  }
0x12: {  	s25 =	simm.s32 $0x14400;
	s8 =	sadd.s32 $0x1400, s1;
	s1 =	simm.s32 $0x2  }
.LBB2_1:
0x13: {  	[tilespmem:s2], [sflag:$0x5] =	stream.linear.gather [hbm4b:s4+s2], $0x6400, $0x38;
	[tilespmem:$0x1A400] =	vst v63  }
0x14: {  	_ =	swait.ge [sflag:s10], $0x6400  }
0x15: {  	[sflag:s10] =	ssyncset.done $0x0  }
0x16: {  	[sflag:s10] =	ssyncadd.s32 $0xFFFF9C00  }
0x17: {  	[tilespmem:s12], [sflag:$0x1] =	stream.indirect.gather [hbm4b:s3+s11], $0x40, s2, s11, $0xb8;
	[tilespmem:$0x1A400] =	vst v63  }
0x18: {  	_ = 	snop  }
0x19: {  	[tilespmem:s13], [sflag:$0x1] =	stream.indirect.gather [hbm4b:s3+s11], $0x40, s11, s11, $0xb8;
	[tilespmem:$0x1A400] =	vst v63  }
0x1a: {  	s18 =	simm.s32 $0x100  }
0x1b: {  	[tilespmem:s15], [sflag:$0x1] =	stream.indirect.gather [hbm4b:s3+s11], $0x40, s18, s11, $0xb8;
	[tilespmem:$0x1A400] =	vst v63  }
0x1c: {  	s22 =	simm.s32 $0x180  }
0x1d: {  	[tilespmem:s17], [sflag:$0x1] =	stream.indirect.gather [hbm4b:s3+s11], $0x40, s22, s11, $0xb8;
	[tilespmem:$0x1A400] =	vst v63  }
0x1e: {  	s24 =	simm.s32 $0x200  }
0x1f: {  	[tilespmem:s19], [sflag:$0x1] =	stream.indirect.gather [hbm4b:s3+s11], $0x40, s24, s11, $0xb8;
	[tilespmem:$0x1A400] =	vst v63  }
0x20: {  	s26 =	simm.s32 $0x280  }
0x21: {  	[tilespmem:s21], [sflag:$0x2] =	stream.indirect.gather [hbm4b:s3+s11], $0x40, s26, s11, $0xb8;
	[tilespmem:$0x1A400] =	vst v63  }
0x22: {  	s20 =	simm.s32 $0x300  }
0x23: {  	[tilespmem:s23], [sflag:$0x2] =	stream.indirect.gather [hbm4b:s3+s11], $0x40, s20, s11, $0xb8;
	[tilespmem:$0x1A400] =	vst v63  }
0x24: {  	s22 =	simm.s32 $0x380  }
0x25: {  	[tilespmem:s25], [sflag:$0x2] =	stream.indirect.gather [hbm4b:s3+s11], $0x40, s22, s11, $0xb8;
	[tilespmem:$0x1A400] =	vst v63  }
0x26: {  	s24 =	simm.s32 $0x400  }
0x27: {  	[tilespmem:s28], [sflag:$0x2] =	stream.indirect.gather [hbm4b:s3+s11], $0x40, s24, s11, $0xb8;
	[tilespmem:$0x1A400] =	vst v63  }
0x28: {  	_ = 	snop  }
0x29: {  	[tilespmem:s30], [sflag:$0x2] =	stream.indirect.gather [hbm4b:s3+s11], $0x40, s29, s11, $0xb8;
	[tilespmem:$0x1A400] =	vst v63  }
0x2a: {  	_ =	swait.ge [sflag:s31], $0xA000  }
0x2b: {  	[sflag:s31] =	ssyncset.done $0x0  }
0x2c: {  	[sflag:s31] =	ssyncadd.s32 $0xFFFF6000  }
0x2d: {  	[hbm4b:s9+s2] =	stream.linear.scatter [tilespmem:s12], [sflag:$0x3], $0xA000, $0x38;
	[tilespmem:$0x1A400] =	vst v63  }
0x2e: {  	_ =	swait.ge [sflag:s1], $0xA000  }
0x2f: {  	[sflag:s1] =	ssyncset.done $0x0  }
0x30: {  	[sflag:s1] =	ssyncadd.s32 $0xFFFF6000  }
0x31: {  	[hbm4b:s8+s2] =	stream.linear.scatter [tilespmem:s21], [sflag:$0x4], $0xA000, $0x38;
	[tilespmem:$0x1A400] =	vst v63  }
0x32: {  	_ =	swait.ge [sflag:s0], $0xA000  }
0x33: {  	[sflag:s0] =	ssyncset.done $0x0  }
0x34: {  	s26 =	simm.s32 $0x500;
	[sflag:s0] =	ssyncadd.s32 $0xFFFF6000  }
0x35: {  	[tilespmem:s12], [sflag:$0x1] =	stream.indirect.gather [hbm4b:s3+s11], $0x40, s26, s11, $0xb8;
	[tilespmem:$0x1A400] =	vst v63  }
0x36: {  	s20 =	simm.s32 $0x580  }
0x37: {  	[tilespmem:s13], [sflag:$0x1] =	stream.indirect.gather [hbm4b:s3+s11], $0x40, s20, s11, $0xb8;
	[tilespmem:$0x1A400] =	vst v63  }
0x38: {  	s22 =	simm.s32 $0x600  }
0x39: {  	[tilespmem:s15], [sflag:$0x1] =	stream.indirect.gather [hbm4b:s3+s11], $0x40, s22, s11, $0xb8;
	[tilespmem:$0x1A400] =	vst v63  }
0x3a: {  	s24 =	simm.s32 $0x680  }
0x3b: {  	[tilespmem:s17], [sflag:$0x1] =	stream.indirect.gather [hbm4b:s3+s11], $0x40, s24, s11, $0xb8;
	[tilespmem:$0x1A400] =	vst v63  }
0x3c: {  	s26 =	simm.s32 $0x700  }
0x3d: {  	[tilespmem:s19], [sflag:$0x1] =	stream.indirect.gather [hbm4b:s3+s11], $0x40, s26, s11, $0xb8;
	[tilespmem:$0x1A400] =	vst v63  }
0x3e: {  	_ =	swait.ge [sflag:s14], $0xA000  }
0x3f: {  	[sflag:s14] =	ssyncset.done $0x0  }
0x40: {  	s20 =	simm.s32 $0x780;
	[sflag:s14] =	ssyncadd.s32 $0xFFFF6000  }
0x41: {  	[tilespmem:s21], [sflag:$0x2] =	stream.indirect.gather [hbm4b:s3+s11], $0x40, s20, s11, $0xb8;
	[tilespmem:$0x1A400] =	vst v63  }
0x42: {  	s22 =	simm.s32 $0x800  }
0x43: {  	[tilespmem:s23], [sflag:$0x2] =	stream.indirect.gather [hbm4b:s3+s11], $0x40, s22, s11, $0xb8;
	[tilespmem:$0x1A400] =	vst v63  }
0x44: {  	s18 =	simm.s32 $0x1400;
	s24 =	simm.s32 $0x880;
	s26 =	simm.s32 $0x900  }
0x45: {  	[tilespmem:s25], [sflag:$0x2] =	stream.indirect.gather [hbm4b:s3+s11], $0x40, s24, s11, $0xb8;
	[tilespmem:$0x1A400] =	vst v63  }
0x46: {  	s20 =	sadd.s32 $0x2800, s8;
	s22 =	sadd.s32 $0x2800, s9;
	s24 =	simm.s32 $0x980  }
0x47: {  	[tilespmem:s28], [sflag:$0x2] =	stream.indirect.gather [hbm4b:s3+s11], $0x40, s26, s11, $0xb8;
	[tilespmem:$0x1A400] =	vst v63  }
.LBB2_2:
0x48: {  	[tilespmem:s30], [sflag:$0x2] =	stream.indirect.gather [hbm4b:s3+s11], $0x40, s24, s11, $0xb8;
	[tilespmem:$0x1A400] =	vst v63  }
0x49: {  	s24 =	smov.u32 s18  }
0x4a: {  	p0 =	sne.s32 s18, $0x16800;
	s18 =	sadd.s32 $0x1400, s18;
	_ =	swait.ge [sflag:s31], $0xA000  }
0x4b: {  	[sflag:s31] =	ssyncset.done $0x0  }
0x4c: {  	[sflag:s31] =	ssyncadd.s32 $0xFFFF6000  }
0x4d: {  	[hbm4b:s22+s2] =	stream.linear.scatter [tilespmem:s12], [sflag:$0x3], $0xA000, $0x38;
	[tilespmem:$0x1A400] =	vst v63  }
0x4e: {  	_ =	swait.ge [sflag:s1], $0xA000  }
0x4f: {  	[sflag:s1] =	ssyncset.done $0x0  }
0x50: {  	[sflag:s1] =	ssyncadd.s32 $0xFFFF6000  }
0x51: {  	[hbm4b:s20+s2] =	stream.linear.scatter [tilespmem:s21], [sflag:$0x4], $0xA000, $0x38;
	[tilespmem:$0x1A400] =	vst v63  }
0x52: {  	_ =	swait.ge [sflag:s0], $0xA000  }
0x53: {  	s24 =	sshra.s32 s24, $0x2;
	[sflag:s0] =	ssyncset.done $0x0  }
0x54: {  	s26 =	sadd.s32 $0x500, s24;
	[sflag:s0] =	ssyncadd.s32 $0xFFFF6000  }
0x55: {  	[tilespmem:s12], [sflag:$0x1] =	stream.indirect.gather [hbm4b:s3+s11], $0x40, s26, s11, $0xb8;
	[tilespmem:$0x1A400] =	vst v63  }
0x56: {  	s26 =	sadd.s32 $0x580, s24  }
0x57: {  	[tilespmem:s13], [sflag:$0x1] =	stream.indirect.gather [hbm4b:s3+s11], $0x40, s26, s11, $0xb8;
	[tilespmem:$0x1A400] =	vst v63  }
0x58: {  	s26 =	sadd.s32 $0x600, s24  }
0x59: {  	[tilespmem:s15], [sflag:$0x1] =	stream.indirect.gather [hbm4b:s3+s11], $0x40, s26, s11, $0xb8;
	[tilespmem:$0x1A400] =	vst v63  }
0x5a: {  	s26 =	sadd.s32 $0x680, s24  }
0x5b: {  	[tilespmem:s17], [sflag:$0x1] =	stream.indirect.gather [hbm4b:s3+s11], $0x40, s26, s11, $0xb8;
	[tilespmem:$0x1A400] =	vst v63  }
0x5c: {  	s26 =	sadd.s32 $0x700, s24  }
0x5d: {  	[tilespmem:s19], [sflag:$0x1] =	stream.indirect.gather [hbm4b:s3+s11], $0x40, s26, s11, $0xb8;
	[tilespmem:$0x1A400] =	vst v63  }
0x5e: {  	_ =	swait.ge [sflag:s14], $0xA000  }
0x5f: {  	[sflag:s14] =	ssyncset.done $0x0  }
0x60: {  	s26 =	sadd.s32 $0x780, s24;
	[sflag:s14] =	ssyncadd.s32 $0xFFFF6000  }
0x61: {  	[tilespmem:s21], [sflag:$0x2] =	stream.indirect.gather [hbm4b:s3+s11], $0x40, s26, s11, $0xb8;
	[tilespmem:$0x1A400] =	vst v63  }
0x62: {  	s26 =	sadd.s32 $0x800, s24  }
0x63: {  	[tilespmem:s23], [sflag:$0x2] =	stream.indirect.gather [hbm4b:s3+s11], $0x40, s26, s11, $0xb8;
	[tilespmem:$0x1A400] =	vst v63  }
.Ltmp0:
0x64: {  	s26 =	sadd.s32 $0x880, s24;
	(pc) =	sbr.rel @p0 .LBB2_2-.Ltmp0, $4  }
0x65: {  	[tilespmem:s25], [sflag:$0x2] =	stream.indirect.gather [hbm4b:s3+s11], $0x40, s26, s11, $0xb8;
	[tilespmem:$0x1A400] =	vst v63  }
0x66: {  	s26 =	sadd.s32 $0x900, s24  }
0x67: {  	[tilespmem:s28], [sflag:$0x2] =	stream.indirect.gather [hbm4b:s3+s11], $0x40, s26, s11, $0xb8;
	[tilespmem:$0x1A400] =	vst v63  }
0x68: {  	s22 =	sadd.s32 $0x2800, s22;
	s20 =	sadd.s32 $0x2800, s20;
	s24 =	sadd.s32 $0x980, s24  }
0x69: {  	[tilespmem:s30], [sflag:$0x2] =	stream.indirect.gather [hbm4b:s3+s11], $0x40, s24, s11, $0xb8;
	[tilespmem:$0x1A400] =	vst v63  }
0x6a: {  	_ =	swait.ge [sflag:s31], $0xA000  }
0x6b: {  	[sflag:s31] =	ssyncset.done $0x0  }
0x6c: {  	[sflag:s31] =	ssyncadd.s32 $0xFFFF6000  }
0x6d: {  	[hbm4b:s5+s2] =	stream.linear.scatter [tilespmem:s12], [sflag:$0x3], $0xA000, $0x38;
	[tilespmem:$0x1A400] =	vst v63  }
0x6e: {  	_ =	swait.ge [sflag:s1], $0xA000  }
0x6f: {  	[sflag:s1] =	ssyncset.done $0x0  }
0x70: {  	s16 =	sadd.s32 $0x1, s16;
	[sflag:s1] =	ssyncadd.s32 $0xFFFF6000  }
0x71: {  	[hbm4b:s6+s2] =	stream.linear.scatter [tilespmem:s21], [sflag:$0x4], $0xA000, $0x38;
	[tilespmem:$0x1A400] =	vst v63  }
0x72: {  	p0 =	sne.s32 s16, s7;
	_ =	swait.ge [sflag:s0], $0xA000  }
.Ltmp1:
0x73: {  	[sflag:s0] =	ssyncset.done $0x0;
	(pc) =	sbr.rel @p0 .LBB2_1-.Ltmp1, $4  }
0x74: {  	[sflag:s0] =	ssyncadd.s32 $0xFFFF6000  }
0x75: {  	_ =	swait.ge [sflag:s14], $0xA000  }
0x76: {  	[sflag:s14] =	ssyncset.done $0x0  }
0x77: {  	[sflag:s14] =	ssyncadd.s32 $0xFFFF6000  }
0x78: {  	_ =	sfence.sel $0x180000  }
0x79: {  	[bflag:$0x0] =	sbarrier.arrive $0xFFFF  }
0x7a: {  	_ =	strace $0x90000047  }
0x7b: {  	s0 =	stileid.u32;
	[bflag:$0x2] =	sbarrier.arrive $0xFFFF  }
0x7c: {  	p0 =	sne.s32 s0, $0x0;
	s0 =	rddreg [dreg:$0x2]  }
0x7d: {  	s0 =	sadd.s32 @!p0 $0x100000, s0  }
0x7e: {  	[sflag:s0] =	ssyncadd.tile.s32 @!p0 $0x1;
	_ =	shalt  }
.Lfunc_end2:
_tile_overlayer_lowered:
.L_overlay_start_2:
0x7f: {  	(tag) =	ssettag $0x2  }
0x80: {  	s0 =	rddreg [dreg:$0x0];
	s2 =	stileid.u32  }
0x81: {  	s1 =	rddreg [dreg:$0x1];
	p0 =	sne.s32 s2, $0x0  }
0x82: {  	s3 =	rddreg [dreg:$0x2];
	[bflag:$0x3] =	sbarrier.arrive $0xFFFF;
	s2 =	simm.s32 @!p0 $0x1C05  }
0x83: {  	[timem:s3], [sflag:s2] =	dma.local @!p0 [hbm:s0], s1  }
0x84: {  	s0 =	simm.s32 @!p0 $0x5  }
0x85: {  	_ =	swait.ge @!p0 [sflag:s0], s1  }
0x86: {  	s1 =	ssub.s32 @!p0 $0x0, s1;
	[sflag:s0] =	ssyncset.done @!p0 $0x0  }
0x87: {  	[sflag:s0] =	ssyncadd.s32 @!p0 s1  }
0x88: {  	[bflag:$0x3] =	sbarrier.arrive $0xFFFF  }
0x89: {  	_ =	shalt  }

// kernel: sparse-core-data-format-call.cloned.1.call-start
scs
called_computation_lowered:
.L_overlay_start_0:
0x0: {  	s2 =	sld [smem:$0x3FD9]  }
0x1: {  	s3 =	sld [smem:$0x3FFE];
	_ =	sdelay $0x1  }
0x2: {  	s1 =	srdreg.scid  }
0x3: {  	s0 =	sand.u32 $0x1, s1  }
0x4: {  	s15 =	sshll.u32 s0, $0xA;
	s2 =	sadd.s32 s3, s2  }
0x5: {  	s2 =	sadd.s32 s2, s15  }
0x6: {  	[smem:$0x3FC6] =	sst s2  }
0x7: {  	_ = 	snop  }
0x8: {  	s2 =	sld [smem:$0x3FD0];
	_ =	sdelay $0x2  }
0x9: {  	s16 =	simm.s32 $0xA;
	s4 =	simm.s32 $0x10  }
0xa: {  	[smem:s4], [sflag:s16] =	dma.local [hbm:s2], $0x1  }
0xb: {  	_ =	swait.eq [sflag:s16], $0x1  }
0xc: {  	[sflag:s16] =	ssyncset.done $0x0  }
0xd: {  	[sflag:s16] =	ssyncadd.s32 $0xFFFFFFFF  }
0xe: {  	s17 =	sld [smem:$0x10];
	(tm) =	ssettm $0x1  }
0xf: {  	s18 =	sld [smem:$0x3FFB];
	_ =	sdelay $0x3  }
0x10: {  	_ =	strace s18  }
0x11: {  	s3 =	sld [smem:$0x3FFC];
	_ =	sdelay $0x3  }
0x12: {  	_ =	strace s3  }
0x13: {  	s3 =	sld [smem:$0x3FFD];
	_ =	sdelay $0x3  }
0x14: {  	_ =	strace s3  }
0x15: {  	_ =	strace $0x8FFFFFFF  }
0x16: {  	s19 =	sld [smem:$0x3FDB];
	_ =	sdelay $0x1  }
0x17: {  	s20 =	simm.s32 $_scs_section_size  }
0x18: {  	s5 =	simm.s32 $_size__tile_overlayer_lowered;
	s6 =	simm.s32 $_tile_overlayer_lowered  }
0x19: {  	s23 =	simm.s32 $0x1BFF;
	s22 =	sshll.u32 s6, $0x1;
	s3 =	sadd.s32 s20, s19  }
0x1a: {  	s7 =	simm.s32 $0x0;
	s21 =	sshll.u32 s5, $0x1;
	s5 =	sadd.s32 s22, s3  }
0x1b: {  	[timem:s7], [sflag:s23] =	dma.local [hbm:s5], s21  }
0x1c: {  	_ =	swait.ge [sflag:s23], s21  }
0x1d: {  	s4 =	ssub.s32 $0x0, s21;
	[sflag:s23] =	ssyncset.done $0x0  }
0x1e: {  	[sflag:s23] =	ssyncadd.s32 s4;
	_ =	sdelay $0x1  }
0x1f: {  	s24 =	simm.s32 $0x1B8B  }
0x20: {  	_ =	swait.ge [sflag:s24], $0x1  }
0x21: {  	[sflag:s24] =	ssyncset.done $0x0  }
0x22: {  	s26 =	simm.s32 $0x1B8E;
	s25 =	sld [smem:$0x3FFE];
	[sflag:s24] =	ssyncadd.s32 $0xFFFFFFFF  }
0x23: {  	s27 =	simm.s32 $execute0_lowered;
	[smem:$0x3FD2] =	sst s26  }
0x24: {  	s5 =	sshll.u32 s27, $0x1;
	_ =	strace $0x80000049;
	[dreg:$0x1] =	wrdreg $0xFFFFFFFF  }
0x25: {  	s28 =	simm.s32 $_size_execute0_lowered;
	s3 =	sadd.s32 s3, s5;
	[dreg:$0x0] =	wrdreg $0x0  }
0x26: {  	s5 =	sshll.u32 s28, $0x1;
	[dreg:$0x2] =	wrdreg s3  }
0x27: {  	[dreg:$0x3] =	wrdreg s5  }
0x28: {  	[dreg:$0x4] =	wrdreg $0xC0  }
0x29: {  	_ =	task [dreg:s7], $0x5FFFF  }
0x2a: {  	[dreg:$0x1] =	wrdreg $0xFFFFFFFF  }
0x2b: {  	[dreg:$0x0] =	wrdreg $0x60  }
0x2c: {  	[dreg:$0x2] =	wrdreg s25  }
0x2d: {  	[dreg:$0x3] =	wrdreg s17  }
0x2e: {  	[dreg:$0x4] =	wrdreg $0x9  }
0x2f: {  	_ =	task.clear_ibuf [dreg:s7], $0x5FFFF;
	_ =	strace $0x90000049  }
0x30: {  	s29 =	simm.s32 $0x9;
	_ =	strace $0x8000004B  }
0x31: {  	_ =	swait.ge [sflag:s29], $0x1  }
0x32: {  	[sflag:s29] =	ssyncadd.s32 $0xFFFFFFFF  }
0x33: {  	_ =	strace $0x9000004B  }
0x34: {  	_ =	sfence  }
0x35: {  	s30 =	sld [smem:$0x0];
	_ =	sdelay $0x2  }
0x36: {  	s31 =	sshll.u32 s1, $0xD;
	s1 =	sshrl.u32 s1, $0x2  }
0x37: {  	s3 =	sand.u32 $0x4000, s31;
	s1 =	sadd.s32 s1, s30  }
0x38: {  	s0 =	sor.u32 s3, s0;
	s1 =	sshll.u32 s1, $0x11  }
0x39: {  	s0 =	sor.u32 s1, s0  }
0x3a: {  	s0 =	sadd.s32 $0x8F2B, s0  }
0x3b: {  	[sflag:s0] =	ssyncadd.remote.s32 $0x1  }
0x3c: {  	_ =	sfence.sel $0xFFFF  }
0x3d: {  	[dreg:$0x0] =	wrdreg $0xFFFFFFFF;
	(pc) =	sbr.abs _section_cstart, $3  }
0x3e: {  	[dreg:$0x1] =	wrdreg $0xFFFFFFFF  }
0x3f: {  	_ =	task.clear_ibuf [dreg:s7], $0x2FFFF;
	_ =	strace $0x9FFFFFFF  }
0x40: {  	(tm) =	ssettm $0x7FFFFFFF  }
0x41: {  	_ =	shalt  }
tec
execute0_lowered:
.L_overlay_start_1:
0x0: {  	(tag) =	ssettag $0x1  }
0x1: {  	s0 =	srdreg.scid  }
0x2: {  	s1 =	sshll.u32 s0, $0x4  }
0x3: {  	s0 =	stileid.u32;
	s1 =	sand.u32 $0x10, s1  }
0x4: {  	s1 =	sor.u32 s0, s1  }
0x5: {  	s6 =	rddreg [dreg:$0x0];
	s4 =	simm.s32 $0x1;
	s2 =	sshll.u32 s1, $0x7  }
0x6: {  	s7 =	simm.s32 $0x2;
	s12 =	simm.s32 $0x0;
	s1 =	ssub.s32 $0x1000, s2  }
0x7: {  	s8 =	simm.s32 $0x8000;
	s13 =	simm.s32 $0x0;
	s3 =	sand.u32 $0xF80, s1  }
0x8: {  	s9 =	simm.s32 $0x0;
	s5 =	sshrl.u32 s1, $0xC;
	p0 =	sne.s32 s3, $0x0  }
.Ltmp0:
0x9: {  	s1 =	rddreg [dreg:$0x2];
	s4 =	simm.s32 @!p0 $0x0;
	(pc) =	sbr.rel .LBB1_1-.Ltmp0, $4  }
0xa: {  	s11 =	simm.s32 $0x0;
	s3 =	rddreg [dreg:$0x1];
	s5 =	sadd.s32 s4, s5  }
0xb: {  	_ =	strace $0x8000004A;
	s4 =	simm.s32 $0x1;
	s5 =	smul.u32 $0xC8, s5  }
0xc: {  	s6 =	sadd.s32 $0xA00, s6;
	s10 =	smov.u32 s2;
	[sflag:s4] =	ssyncpa.u1 $0x0  }
0xd: {  	p0 =	por $0x0, $0x0;
	[sflag:s7] =	ssyncpa.u1 $0x0;
	s7 =	sor.u32 $0x1, s5  }
.LBB1_4:
0xe: {  	s16 =	sshll.u32 s13, $0x3;
	s17 =	sand.u32 $0x78, s13  }
0xf: {  	s30 =	sand.u32 $0x7E00, s13;
	s12 =	sshll.u32 s12, $0xF;
	s16 =	sand.u32 $0xC00, s16  }
0x10: {  	[tilespmem:s15+$0x810 ss:$0x81] =	vst.msk $0xffff, v2;
	s31 =	sand.u32 $0x7, s13;
	s16 =	sor.u32 s17, s16;
	s17 =	sadd.s32 s3, s30  }
0x11: {  	[tilespmem:s15+$0x1020 ss:$0x81] =	vst.msk $0xffff, v0;
	s13 =	sshll.u32 s31, $0x12;
	s12 =	sadd.s32 s12, s17;
	s16 =	sshrl.u32 s16, $0x3  }
0x12: {  	[tilespmem:s15+$0x0 ss:$0x81] =	vst.msk $0xffff, v1;
	s13 =	sor.u32 $0x400, s13;
	s12 =	sadd.s32 s16, s12  }
0x13: {  	[hbm4b:s12+s13] =	stream.strided.scatter [tilespmem:s14], [sflag:$0x2], $0x2000, s8, s13, $0x20;
	[tilespmem:$0x8080] =	vst v63  }
.LBB1_5:
0x14: {  	s14 =	sadd.s32 $0x1, s9  }
0x15: {  	s12 =	sadd.s32 $0x1000, s10;
	s16 =	smov.u32 s10;
	p2 =	sgt.s32 s14, $0xC7  }
0x16: {  	s16 =	smov.u32 @p2 s12  }
0x17: {  	s14 =	simm.s32 @p2 $0x0;
	p2 =	sgt.s32 s16, $0xFFF  }
0x18: {  	s16 =	smov.u32 @p2 s2;
	p2 =	sne.s32 s11, s7  }
.Ltmp1:
0x19: {  	p1 =	slt.u32 s11, $0x2;
	(pc) =	sbr.rel @!p2 .LBB1_6-.Ltmp1, $4  }
0x1a: {  	s15 =	simm.s32 @!p1 $0x2  }
0x1b: {  	s13 =	smov.u32 s10;
	p0 =	por !p0, !p0;
	_ =	swait.ge @!p1 [sflag:s15], $0x2000  }
0x1c: {  	s12 =	smov.u32 s9;
	[sflag:s15] =	ssyncset.done @!p1 $0x0;
	s9 =	smov.u32 s14  }
0x1d: {  	s11 =	sadd.s32 $0x1, s11;
	[sflag:s15] =	ssyncadd.s32 @!p1 $0xFFFFE000;
	s10 =	smov.u32 s16  }
.LBB1_1:
0x1e: {  	p1 =	sge.u32 s11, s5  }
0x1f: {  	s14 =	sand.u32 @!p1 $0x1FFFFFF, s9  }
0x20: {  	s15 =	smulhi.u32 @!p1 $0x147AE15, s14;
	_ =	sdelay $0x1  }
0x21: {  	s15 =	smul.u32 @!p1 $0xC8, s15  }
0x22: {  	s16 =	sxor.u32 @!p1 $0xFFFFFFFF, s11;
	s17 =	smul.u32 @!p1 $0xC80, s10  }
0x23: {  	s31 =	sadd.s32 $0xFFFFFFFF, s11;
	s16 =	sshll.u32 @!p1 s16, $0xD;
	s14 =	ssub.s32 @!p1 s14, s15  }
0x24: {  	s15 =	sand.u32 @!p1 $0x2000, s16;
	s16 =	sadd.s32 @!p1 s6, s17;
	s14 =	sshll.u32 @!p1 s14, $0x4  }
0x25: {  	s17 =	simm.s32 @!p1 $0x6400;
	s14 =	sadd.s32 @!p1 s14, s16;
	s16 =	simm.s32 @!p1 $0x40  }
0x26: {  	[tilespmem:s15], [sflag:$0x1] =	stream.strided.gather @!p1 [hbm4b:s14+s16], $0x2000, s17, s16, $0x38;
	[tilespmem:$0x8080] =	vst v63  }
0x27: {  	p1 =	sge.u32 s31, s5  }
.Ltmp2:
0x28: {  	_ = 	snop;
	(pc) =	sbr.rel @p1 .LBB1_5-.Ltmp2, $1  }
0x29: {  	_ =	sdelay $0x3  }
0x2a: {  	s14 =	simm.s32 $0x1  }
0x2b: {  	_ =	swait.ge [sflag:s4], $0x2000;
	s14 =	simm.s32 @!p0 $0x0  }
0x2c: {  	[sflag:s4] =	ssyncset.done $0x0;
	s15 =	sshll.u32 s14, $0xD  }
0x2d: {  	[sflag:s4] =	ssyncadd.s32 $0xFFFFE000;
	s18 =	sor.u32 $0x20, s15  }
0x2e: {  	s14 =	smul.u32 $0x8100, s14;
	v3 =	vld [tilespmem:s18+$0x10]  }
0x2f: {  	s30 =	sand.u32 $0x1, s11;
	v2 =	vld [tilespmem:s18+$0xFFFFFFF0]  }
0x30: {  	s15 =	smul.u32 $0x8100, s30;
	s14 =	sshrl.u32 s14, $0x2;
	v0 =	vld [tilespmem:s18+$0x0]  }
0x31: {  	v1 =	vld [tilespmem:s18+$0xFFFFFFE0];
	s16 =	sor.u32 $0x4000, s14  }
0x32: {  	s31 =	sshrl.u32 s15, $0x2;
	s15 =	sadd.s32 $0x0, s16  }
0x33: {  	s17 =	simm.s32 $0x4;
	s18 =	sadd.s32 $0x40, s18;
	s14 =	sor.u32 $0x4000, s31;
	[tilespmem:s15+$0x1830 ss:$0x81] =	vst.msk $0xffff, v3  }
.LBB1_3:
0x34: {  	v3 =	vld [tilespmem:s18+$0x10];
	p1 =	sne.s32 s17, $0x1FC;
	[tilespmem:s15+$0x810 ss:$0x81] =	vst.msk $0xffff, v2;
	s19 =	smov.u32 s17;
	s17 =	sadd.s32 $0x4, s17  }
.Ltmp3:
0x35: {  	v2 =	vld [tilespmem:s18+$0xFFFFFFF0];
	[tilespmem:s15+$0x1020 ss:$0x81] =	vst.msk $0xffff, v0;
	(pc) =	sbr.rel @p1 .LBB1_3-.Ltmp3, $4  }
0x36: {  	v0 =	vld [tilespmem:s18+$0x0];
	[tilespmem:s15+$0x0 ss:$0x81] =	vst.msk $0xffff, v1  }
0x37: {  	s15 =	sshra.s32 s19, $0x2;
	v1 =	vld [tilespmem:s18+$0xFFFFFFE0]  }
0x38: {  	s15 =	sadd.s32 s15, s16  }
0x39: {  	s18 =	sadd.s32 $0x40, s18;
	[tilespmem:s15+$0x1830 ss:$0x81] =	vst.msk $0xffff, v3  }
.Ltmp4:
0x3a: {  	_ = 	snop;
	(pc) =	sbr.rel .LBB1_4-.Ltmp4, $1  }
0x3b: {  	_ =	sdelay $0x3  }
.LBB1_6:
0x3c: {  	_ =	sfence.sel $0x180000  }
0x3d: {  	s2 =	simm.s32 $0x1;
	[bflag:$0x0] =	sbarrier.arrive $0xFFFF  }
0x3e: {  	s31 =	simm.s32 $0x2;
	[sflag:s2] =	ssyncpa.u1 $0x1  }
0x3f: {  	[sflag:s31] =	ssyncpa.u1 $0x1  }
0x40: {  	p0 =	sne.s32 s0, $0x0;
	_ =	strace $0x9000004A  }
0x41: {  	s0 =	sadd.s32 @!p0 $0x100000, s1;
	[bflag:$0x2] =	sbarrier.arrive $0xFFFF  }
0x42: {  	[sflag:s0] =	ssyncadd.tile.s32 @!p0 $0x1;
	_ =	shalt  }
.Lfunc_end1:
_tile_overlayer_lowered:
.L_overlay_start_2:
0x43: {  	(tag) =	ssettag $0x2  }
0x44: {  	s0 =	rddreg [dreg:$0x0];
	s2 =	stileid.u32  }
0x45: {  	s1 =	rddreg [dreg:$0x1];
	p0 =	sne.s32 s2, $0x0  }
0x46: {  	s3 =	rddreg [dreg:$0x2];
	[bflag:$0x3] =	sbarrier.arrive $0xFFFF;
	s2 =	simm.s32 @!p0 $0x1C01  }
0x47: {  	[timem:s3], [sflag:s2] =	dma.local @!p0 [hbm:s0], s1  }
0x48: {  	s0 =	simm.s32 @!p0 $0x1  }
0x49: {  	_ =	swait.ge @!p0 [sflag:s0], s1  }
0x4a: {  	s1 =	ssub.s32 @!p0 $0x0, s1;
	[sflag:s0] =	ssyncset.done @!p0 $0x0  }
0x4b: {  	[sflag:s0] =	ssyncadd.s32 @!p0 s1  }
0x4c: {  	[bflag:$0x3] =	sbarrier.arrive $0xFFFF  }
0x4d: {  	_ =	shalt  }

</sc_bundles>
